<compile_context>
chip_gen: v7x
topology: tpu7x:2x2x1
jax: 0.10.2.dev20260603
libtpu: 0.0.44.dev20260713+nightly
codegen_flags: <defaults>
</compile_context>

<pallas_src>
import functools

import jax
import jax.numpy as jnp
from jax import lax
from jax.experimental import pallas as pl
from jax.experimental.pallas import tpu as pltpu
from jax.experimental.pallas import tpu_sc as plsc

_G = 10000
_NC = 2
_NS = 16
_NW = _NC * _NS


def _mlp1_body(x_ref, w1_ref, b1_ref, o_ref):
    d = o_ref.shape[-1]
    h = jnp.dot(x_ref[...], w1_ref[...], preferred_element_type=jnp.float32)
    h = h + b1_ref[...]
    o_ref[...] = jax.nn.sigmoid(h[:, :d]) * h[:, d:]


def _mlp1(x, W1, b1, slab, nslab):
    n, d = x.shape
    sn = n // nslab
    bn = 16000
    boff = slab * (sn // bn)
    return pl.pallas_call(
        _mlp1_body,
        grid=(sn // bn,),
        in_specs=[
            pl.BlockSpec((bn, d), lambda i: (i + boff, 0)),
            pl.BlockSpec((d, 2 * d), lambda i: (0, 0)),
            pl.BlockSpec((1, 2 * d), lambda i: (0, 0)),
        ],
        out_specs=pl.BlockSpec((bn, d), lambda i: (i, 0)),
        out_shape=jax.ShapeDtypeStruct((sn, d), jnp.float32),
    )(x, W1, b1.reshape(1, -1))


def _segment_sum_sc(vals, ids, init, gpad, id_base):
    n, d = vals.shape
    rows_per_w = n // _NW
    chunk = 40
    n_chunks = rows_per_w // chunk
    nbuf = 5
    n_groups = n_chunks // nbuf
    zrows = gpad // _NS
    mesh = plsc.VectorSubcoreMesh(core_axis_name="c", subcore_axis_name="s")

    @functools.partial(
        pl.kernel,
        out_type=jax.ShapeDtypeStruct((_NC * gpad, d), jnp.float32),
        mesh=mesh,
        scratch_types=[
            pltpu.VMEM((nbuf, chunk), jnp.int32),
            pltpu.VMEM((nbuf, chunk, d), jnp.float32),
            pltpu.VMEM_SHARED((gpad, d), jnp.float32),
            pltpu.SemaphoreType.DMA((nbuf,)),
            pltpu.SemaphoreType.DMA((nbuf,)),
            pltpu.SemaphoreType.DMA((nbuf,)),
        ],
    )
    def seg_kernel(vals_hbm, ids_hbm, z_hbm, out_hbm,
                   idx_v, rows_v, acc_sh, sem_i, sem_l, sem_s):
        cid = lax.axis_index("c")
        sid = lax.axis_index("s")
        wid = cid * _NS + sid
        pltpu.sync_copy(z_hbm.at[pl.ds(cid * gpad + sid * zrows, zrows)],
                        acc_sh.at[pl.ds(sid * zrows, zrows)])
        plsc.subcore_barrier()

        base = wid * rows_per_w

        def load(i, b, start):
            iargs = (ids_hbm.at[pl.ds(id_base + base + i * chunk, chunk)],
                     idx_v.at[b], sem_i.at[b])
            rargs = (vals_hbm.at[pl.ds(base + i * chunk, chunk)],
                     rows_v.at[b], sem_l.at[b])
            if start:
                pltpu.async_copy(*iargs)
                pltpu.async_copy(*rargs)
            else:
                pltpu.make_async_copy(*iargs).wait()
                pltpu.make_async_copy(*rargs).wait()

        def scat(i, b, start):
            args = (rows_v.at[b], acc_sh.at[idx_v.at[b]], sem_s.at[b])
            if start:
                return pltpu.async_copy(*args, add=True)
            return pltpu.make_async_copy(*args)

        for b in range(3):
            load(b, b, True)

        def group(j, carry):
            for b in range(nbuf):
                i = j * nbuf + b
                load(i, b, False)
                scat(i, b, True)
                k = i + 3
                kb = (b + 3) % nbuf

                @pl.when(jnp.logical_and(k < n_chunks, k >= nbuf))
                def _wait_prev_scatter():
                    scat(k - nbuf, kb, False).wait()

                @pl.when(k < n_chunks)
                def _load_ahead():
                    load(k, kb, True)
            return carry

        lax.fori_loop(0, n_groups, group, 0)
        for b in range(nbuf):
            scat((n_groups - 1) * nbuf + b, b, False).wait()
        plsc.subcore_barrier()

        out_off = cid * gpad + sid * zrows
        pltpu.sync_copy(acc_sh.at[pl.ds(sid * zrows, zrows)],
                        out_hbm.at[pl.ds(out_off, zrows)])

    return seg_kernel(vals, ids, init)


def _mlp2_body(p0_ref, p1_ref, w2_ref, b2_ref, o_ref):
    p = p0_ref[...] + p1_ref[...]
    o_ref[...] = (
        jnp.dot(p, w2_ref[...], preferred_element_type=jnp.float32)
        + b2_ref[...]
    )


def _mlp2(p0, p1, W2, b2):
    g, d = p0.shape
    bg = 10000
    return pl.pallas_call(
        _mlp2_body,
        grid=(g // bg,),
        in_specs=[
            pl.BlockSpec((bg, d), lambda i: (i, 0)),
            pl.BlockSpec((bg, d), lambda i: (i, 0)),
            pl.BlockSpec((d, d), lambda i: (0, 0)),
            pl.BlockSpec((1, d), lambda i: (0, 0)),
        ],
        out_specs=pl.BlockSpec((bg, d), lambda i: (i, 0)),
        out_shape=jax.ShapeDtypeStruct((g, d), jnp.float32),
    )(p0, p1, W2, b2.reshape(1, -1))


def kernel(node_states, graph_idx, n_graphs, W1, b1, W2, b2):
    n, d = node_states.shape
    ids = jnp.minimum(graph_idx, n_graphs - 1).astype(jnp.int32)
    gpad = _NS * 632
    nslab = 1
    sn = n // nslab
    p = jnp.zeros((_NC * gpad, d), jnp.float32)
    vals = [_mlp1(node_states, W1, b1, s, nslab) for s in range(nslab)]
    for s in range(nslab):
        p = _segment_sum_sc(vals[s], ids, p, gpad, s * sn)
    return _mlp2(p[:_G], p[gpad:gpad + _G], W2, b2)

# --- scband reference (transcript-rebuilt; emitter-appended) ---
"""Pipeline reference for scband-graph-aggregator-65515431133506 (READ-ONLY COPY).

The authoritative reference and input builder live on the scoring server;
editing this copy changes nothing except your own understanding.
"""

import jax, jax.numpy as jnp
import numpy as np

N = 320000
D = 128
G = 10000

def setup_inputs(seed: int = 0) -> dict:
    key = jax.random.key(seed)
    k1, k2, k3, k4 = jax.random.split(key, 4)
    node_states = jax.random.normal(k1, (N, D), dtype=jnp.float32)
    graph_idx = jnp.sort(jax.random.randint(k2, (N,), 0, G)).astype(jnp.int64)
    # MLP1: single Linear(D -> 2*D) because gated=True doubles node_hidden_sizes[-1]
    W1 = jax.random.normal(k3, (D, 2 * D), dtype=jnp.float32) * 0.05
    b1 = jnp.zeros((2 * D,), dtype=jnp.float32)
    # MLP2: single Linear(D -> D)
    W2 = jax.random.normal(k4, (D, D), dtype=jnp.float32) * 0.05
    b2 = jnp.zeros((D,), dtype=jnp.float32)
    return {"node_states": node_states, "graph_idx": graph_idx, "n_graphs": G,
            "W1": W1, "b1": b1, "W2": W2, "b2": b2}

def reference(node_states, graph_idx, n_graphs, W1, b1, W2, b2):
    d = W2.shape[0]
    # MLP1 node transform
    h = node_states @ W1 + b1
    # gated aggregation: first half is gates, second half is values
    gates = jax.nn.sigmoid(h[:, :d])
    vals = h[:, d:] * gates
    # unsorted_segment_sum over graph ids (aggregation_type='sum')
    seg_ids = jnp.minimum(graph_idx, n_graphs - 1)
    graph_states = jax.ops.segment_sum(vals, seg_ids, num_segments=G)
    # MLP2 graph transform
    out = graph_states @ W2 + b2
    return out

if __name__ == "__main__":
    import jax
    _d = setup_inputs()
    print(jax.jit(kernel)(*tuple(_d.values())))

</pallas_src>

<mosaic_0001>
#map = affine_map<(d0, d1) -> (0, 0)>
#map1 = affine_map<(d0, d1) -> (0)>
module attributes {stable_mosaic.version = 14 : i64} {
  func.func @seg_kernel(%arg0: i32, %arg1: i32, %arg2: memref<320000x128xf32, #tpu.memory_space<hbm>>, %arg3: memref<320000xi32, #tpu.memory_space<hbm>>, %arg4: memref<20224x128xf32, #tpu.memory_space<hbm>>, %arg5: memref<20224x128xf32, #tpu.memory_space<hbm>>, %arg6: memref<5x40xi32, #tpu.memory_space<vmem>>, %arg7: memref<5x40x128xf32, #tpu.memory_space<vmem>>, %arg8: memref<10112x128xf32, #tpu.memory_space<vmem_shared>>, %arg9: memref<5x!tpu.dma_semaphore, #tpu.memory_space<semaphore_mem>>, %arg10: memref<5x!tpu.dma_semaphore, #tpu.memory_space<semaphore_mem>>, %arg11: memref<5x!tpu.dma_semaphore, #tpu.memory_space<semaphore_mem>>) attributes {dimension_semantics = [#tpu.dimension_semantics<core_parallel>, #tpu.dimension_semantics<subcore_parallel>], iteration_bounds = array<i64: 2, 16>, scalar_prefetch = 0 : i64, scratch_operands = 6 : i64, tpu.core_type = #tpu.core_type<sc_vector_subcore>, window_params = [{transform_indices = #map}, {transform_indices = #map1}, {transform_indices = #map}, {transform_indices = #map}]} {
    %mul3A = arith.constant 16 : i32
    %mul3A_0 = arith.muli %arg0, %mul3A : i32
    %add3A = arith.addi %mul3A_0, %arg1 : i32
    %mul3A_1 = arith.constant 10112 : i32
    %mul3A_2 = arith.muli %arg0, %mul3A_1 : i32
    %mul3A_3 = arith.constant 632 : i32
    %mul3A_4 = arith.muli %arg1, %mul3A_3 : i32
    %add3A_5 = arith.addi %mul3A_2, %mul3A_4 : i32
    %mul3A_6 = arith.constant 632 : i32
    %mul3A_7 = arith.muli %arg1, %mul3A_6 : i32
    "tpu.region"() ({
      %run_scoped3A = tpu.sem_alloc : memref<!tpu.dma_semaphore, #tpu.memory_space<semaphore_mem>>
      %dma_start3A_198 = arith.constant 0 : i32
      %dma_start3A_199 = tpu.memref_slice %arg8[%mul3A_7, %dma_start3A_198] : memref<10112x128xf32, #tpu.memory_space<vmem_shared>> -> memref<632x128xf32, #tpu.memory_space<vmem_shared>>
      %dma_start3A_200 = arith.constant 0 : i32
      %dma_start3A_201 = tpu.memref_slice %arg4[%add3A_5, %dma_start3A_200] : memref<20224x128xf32, #tpu.memory_space<hbm>> -> memref<632x128xf32, #tpu.memory_space<hbm>>
      tpu.enqueue_dma source(%dma_start3A_201 : memref<632x128xf32, #tpu.memory_space<hbm>>) target(%dma_start3A_199 : memref<632x128xf32, #tpu.memory_space<vmem_shared>>) target_semaphore(%run_scoped3A : memref<!tpu.dma_semaphore, #tpu.memory_space<semaphore_mem>>)
      %dma_wait3A_202 = arith.constant 0 : i32
      %dma_wait3A_203 = tpu.memref_slice %arg8[%mul3A_7, %dma_wait3A_202] : memref<10112x128xf32, #tpu.memory_space<vmem_shared>> -> memref<632x128xf32, #tpu.memory_space<vmem_shared>>
      %dma_wait3A_204 = arith.constant 0 : i32
      %dma_wait3A_205 = tpu.memref_slice %arg4[%add3A_5, %dma_wait3A_204] : memref<20224x128xf32, #tpu.memory_space<hbm>> -> memref<632x128xf32, #tpu.memory_space<hbm>>
      tpu.wait_dma2 semaphore(%run_scoped3A : memref<!tpu.dma_semaphore, #tpu.memory_space<semaphore_mem>>) src(%dma_wait3A_205 : memref<632x128xf32, #tpu.memory_space<hbm>>) dst(%dma_wait3A_203 : memref<632x128xf32, #tpu.memory_space<vmem_shared>>)
      tpu.yield
    }) : () -> ()
    %barrier3A = arith.constant 0 : index
    tpu.barrier barrier_id(%barrier3A)
    %mul3A_8 = arith.constant 10000 : i32
    %mul3A_9 = arith.muli %add3A, %mul3A_8 : i32
    %add3A_10 = arith.constant 0 : i32
    %add3A_11 = arith.addi %add3A_10, %mul3A_9 : i32
    %add3A_12 = arith.constant 0 : i32
    %add3A_13 = arith.addi %add3A_11, %add3A_12 : i32
    %add3A_14 = arith.constant 0 : i32
    %add3A_15 = arith.addi %mul3A_9, %add3A_14 : i32
    %dma_start3A = arith.constant 0 : i32
    %dma_start3A_16 = arith.constant 0 : i32
    %dma_start3A_17 = arith.constant 0 : i32
    %dma_start3A_18 = tpu.memref_slice %arg6[%dma_start3A, %dma_start3A_17] : memref<5x40xi32, #tpu.memory_space<vmem>> -> memref<1x40xi32, #tpu.memory_space<vmem>>
    %dma_start3A_19 = tpu.memref_squeeze %dma_start3A_18 : memref<1x40xi32, #tpu.memory_space<vmem>> -> memref<40xi32, #tpu.memory_space<vmem>>
    %dma_start3A_20 = tpu.memref_slice %arg3[%add3A_13] : memref<320000xi32, #tpu.memory_space<hbm>> -> memref<40xi32, #tpu.memory_space<hbm>>
    %dma_start3A_21 = tpu.memref_slice %arg9[%dma_start3A_16] : memref<5x!tpu.dma_semaphore, #tpu.memory_space<semaphore_mem>> -> memref<1x!tpu.dma_semaphore, #tpu.memory_space<semaphore_mem>>
    %dma_start3A_22 = tpu.memref_squeeze %dma_start3A_21 : memref<1x!tpu.dma_semaphore, #tpu.memory_space<semaphore_mem>> -> memref<!tpu.dma_semaphore, #tpu.memory_space<semaphore_mem>>
    %dma_start3A_23 = arith.constant 0 : i32
    %dma_start3A_24 = tpu.memref_slice %arg6[%dma_start3A, %dma_start3A_23] : memref<5x40xi32, #tpu.memory_space<vmem>> -> memref<1x40xi32, #tpu.memory_space<vmem>>
    %dma_start3A_25 = tpu.memref_squeeze %dma_start3A_24 : memref<1x40xi32, #tpu.memory_space<vmem>> -> memref<40xi32, #tpu.memory_space<vmem>>
    %dma_start3A_26 = tpu.memref_slice %arg3[%add3A_13] : memref<320000xi32, #tpu.memory_space<hbm>> -> memref<40xi32, #tpu.memory_space<hbm>>
    tpu.enqueue_dma source(%dma_start3A_26 : memref<40xi32, #tpu.memory_space<hbm>>) target(%dma_start3A_25 : memref<40xi32, #tpu.memory_space<vmem>>) target_semaphore(%dma_start3A_22 : memref<!tpu.dma_semaphore, #tpu.memory_space<semaphore_mem>>)
    %dma_start3A_27 = arith.constant 0 : i32
    %dma_start3A_28 = arith.constant 0 : i32
    %dma_start3A_29 = arith.constant 0 : i32
    %dma_start3A_30 = arith.constant 0 : i32
    %dma_start3A_31 = tpu.memref_slice %arg7[%dma_start3A_27, %dma_start3A_29, %dma_start3A_30] : memref<5x40x128xf32, #tpu.memory_space<vmem>> -> memref<1x40x128xf32, #tpu.memory_space<vmem>>
    %dma_start3A_32 = tpu.memref_squeeze %dma_start3A_31 : memref<1x40x128xf32, #tpu.memory_space<vmem>> -> memref<40x128xf32, #tpu.memory_space<vmem>>
    %dma_start3A_33 = arith.constant 0 : i32
    %dma_start3A_34 = tpu.memref_slice %arg2[%add3A_15, %dma_start3A_33] : memref<320000x128xf32, #tpu.memory_space<hbm>> -> memref<40x128xf32, #tpu.memory_space<hbm>>
    %dma_start3A_35 = tpu.memref_slice %arg10[%dma_start3A_28] : memref<5x!tpu.dma_semaphore, #tpu.memory_space<semaphore_mem>> -> memref<1x!tpu.dma_semaphore, #tpu.memory_space<semaphore_mem>>
    %dma_start3A_36 = tpu.memref_squeeze %dma_start3A_35 : memref<1x!tpu.dma_semaphore, #tpu.memory_space<semaphore_mem>> -> memref<!tpu.dma_semaphore, #tpu.memory_space<semaphore_mem>>
    %dma_start3A_37 = arith.constant 0 : i32
    %dma_start3A_38 = arith.constant 0 : i32
    %dma_start3A_39 = tpu.memref_slice %arg7[%dma_start3A_27, %dma_start3A_37, %dma_start3A_38] : memref<5x40x128xf32, #tpu.memory_space<vmem>> -> memref<1x40x128xf32, #tpu.memory_space<vmem>>
    %dma_start3A_40 = tpu.memref_squeeze %dma_start3A_39 : memref<1x40x128xf32, #tpu.memory_space<vmem>> -> memref<40x128xf32, #tpu.memory_space<vmem>>
    %dma_start3A_41 = arith.constant 0 : i32
    %dma_start3A_42 = tpu.memref_slice %arg2[%add3A_15, %dma_start3A_41] : memref<320000x128xf32, #tpu.memory_space<hbm>> -> memref<40x128xf32, #tpu.memory_space<hbm>>
    tpu.enqueue_dma source(%dma_start3A_42 : memref<40x128xf32, #tpu.memory_space<hbm>>) target(%dma_start3A_40 : memref<40x128xf32, #tpu.memory_space<vmem>>) target_semaphore(%dma_start3A_36 : memref<!tpu.dma_semaphore, #tpu.memory_space<semaphore_mem>>)
    %add3A_43 = arith.constant 0 : i32
    %add3A_44 = arith.addi %add3A_43, %mul3A_9 : i32
    %add3A_45 = arith.constant 40 : i32
    %add3A_46 = arith.addi %add3A_44, %add3A_45 : i32
    %add3A_47 = arith.constant 40 : i32
    %add3A_48 = arith.addi %mul3A_9, %add3A_47 : i32
    %dma_start3A_49 = arith.constant 1 : i32
    %dma_start3A_50 = arith.constant 1 : i32
    %dma_start3A_51 = arith.constant 0 : i32
    %dma_start3A_52 = tpu.memref_slice %arg6[%dma_start3A_49, %dma_start3A_51] : memref<5x40xi32, #tpu.memory_space<vmem>> -> memref<1x40xi32, #tpu.memory_space<vmem>>
    %dma_start3A_53 = tpu.memref_squeeze %dma_start3A_52 : memref<1x40xi32, #tpu.memory_space<vmem>> -> memref<40xi32, #tpu.memory_space<vmem>>
    %dma_start3A_54 = tpu.memref_slice %arg3[%add3A_46] : memref<320000xi32, #tpu.memory_space<hbm>> -> memref<40xi32, #tpu.memory_space<hbm>>
    %dma_start3A_55 = tpu.memref_slice %arg9[%dma_start3A_50] : memref<5x!tpu.dma_semaphore, #tpu.memory_space<semaphore_mem>> -> memref<1x!tpu.dma_semaphore, #tpu.memory_space<semaphore_mem>>
    %dma_start3A_56 = tpu.memref_squeeze %dma_start3A_55 : memref<1x!tpu.dma_semaphore, #tpu.memory_space<semaphore_mem>> -> memref<!tpu.dma_semaphore, #tpu.memory_space<semaphore_mem>>
    %dma_start3A_57 = arith.constant 0 : i32
    %dma_start3A_58 = tpu.memref_slice %arg6[%dma_start3A_49, %dma_start3A_57] : memref<5x40xi32, #tpu.memory_space<vmem>> -> memref<1x40xi32, #tpu.memory_space<vmem>>
    %dma_start3A_59 = tpu.memref_squeeze %dma_start3A_58 : memref<1x40xi32, #tpu.memory_space<vmem>> -> memref<40xi32, #tpu.memory_space<vmem>>
    %dma_start3A_60 = tpu.memref_slice %arg3[%add3A_46] : memref<320000xi32, #tpu.memory_space<hbm>> -> memref<40xi32, #tpu.memory_space<hbm>>
    tpu.enqueue_dma source(%dma_start3A_60 : memref<40xi32, #tpu.memory_space<hbm>>) target(%dma_start3A_59 : memref<40xi32, #tpu.memory_space<vmem>>) target_semaphore(%dma_start3A_56 : memref<!tpu.dma_semaphore, #tpu.memory_space<semaphore_mem>>)
    %dma_start3A_61 = arith.constant 1 : i32
    %dma_start3A_62 = arith.constant 1 : i32
    %dma_start3A_63 = arith.constant 0 : i32
    %dma_start3A_64 = arith.constant 0 : i32
    %dma_start3A_65 = tpu.memref_slice %arg7[%dma_start3A_61, %dma_start3A_63, %dma_start3A_64] : memref<5x40x128xf32, #tpu.memory_space<vmem>> -> memref<1x40x128xf32, #tpu.memory_space<vmem>>
    %dma_start3A_66 = tpu.memref_squeeze %dma_start3A_65 : memref<1x40x128xf32, #tpu.memory_space<vmem>> -> memref<40x128xf32, #tpu.memory_space<vmem>>
    %dma_start3A_67 = arith.constant 0 : i32
    %dma_start3A_68 = tpu.memref_slice %arg2[%add3A_48, %dma_start3A_67] : memref<320000x128xf32, #tpu.memory_space<hbm>> -> memref<40x128xf32, #tpu.memory_space<hbm>>
    %dma_start3A_69 = tpu.memref_slice %arg10[%dma_start3A_62] : memref<5x!tpu.dma_semaphore, #tpu.memory_space<semaphore_mem>> -> memref<1x!tpu.dma_semaphore, #tpu.memory_space<semaphore_mem>>
    %dma_start3A_70 = tpu.memref_squeeze %dma_start3A_69 : memref<1x!tpu.dma_semaphore, #tpu.memory_space<semaphore_mem>> -> memref<!tpu.dma_semaphore, #tpu.memory_space<semaphore_mem>>
    %dma_start3A_71 = arith.constant 0 : i32
    %dma_start3A_72 = arith.constant 0 : i32
    %dma_start3A_73 = tpu.memref_slice %arg7[%dma_start3A_61, %dma_start3A_71, %dma_start3A_72] : memref<5x40x128xf32, #tpu.memory_space<vmem>> -> memref<1x40x128xf32, #tpu.memory_space<vmem>>
    %dma_start3A_74 = tpu.memref_squeeze %dma_start3A_73 : memref<1x40x128xf32, #tpu.memory_space<vmem>> -> memref<40x128xf32, #tpu.memory_space<vmem>>
    %dma_start3A_75 = arith.constant 0 : i32
    %dma_start3A_76 = tpu.memref_slice %arg2[%add3A_48, %dma_start3A_75] : memref<320000x128xf32, #tpu.memory_space<hbm>> -> memref<40x128xf32, #tpu.memory_space<hbm>>
    tpu.enqueue_dma source(%dma_start3A_76 : memref<40x128xf32, #tpu.memory_space<hbm>>) target(%dma_start3A_74 : memref<40x128xf32, #tpu.memory_space<vmem>>) target_semaphore(%dma_start3A_70 : memref<!tpu.dma_semaphore, #tpu.memory_space<semaphore_mem>>)
    %add3A_77 = arith.constant 0 : i32
    %add3A_78 = arith.addi %add3A_77, %mul3A_9 : i32
    %add3A_79 = arith.constant 80 : i32
    %add3A_80 = arith.addi %add3A_78, %add3A_79 : i32
    %add3A_81 = arith.constant 80 : i32
    %add3A_82 = arith.addi %mul3A_9, %add3A_81 : i32
    %dma_start3A_83 = arith.constant 2 : i32
    %dma_start3A_84 = arith.constant 2 : i32
    %dma_start3A_85 = arith.constant 0 : i32
    %dma_start3A_86 = tpu.memref_slice %arg6[%dma_start3A_83, %dma_start3A_85] : memref<5x40xi32, #tpu.memory_space<vmem>> -> memref<1x40xi32, #tpu.memory_space<vmem>>
    %dma_start3A_87 = tpu.memref_squeeze %dma_start3A_86 : memref<1x40xi32, #tpu.memory_space<vmem>> -> memref<40xi32, #tpu.memory_space<vmem>>
    %dma_start3A_88 = tpu.memref_slice %arg3[%add3A_80] : memref<320000xi32, #tpu.memory_space<hbm>> -> memref<40xi32, #tpu.memory_space<hbm>>
    %dma_start3A_89 = tpu.memref_slice %arg9[%dma_start3A_84] : memref<5x!tpu.dma_semaphore, #tpu.memory_space<semaphore_mem>> -> memref<1x!tpu.dma_semaphore, #tpu.memory_space<semaphore_mem>>
    %dma_start3A_90 = tpu.memref_squeeze %dma_start3A_89 : memref<1x!tpu.dma_semaphore, #tpu.memory_space<semaphore_mem>> -> memref<!tpu.dma_semaphore, #tpu.memory_space<semaphore_mem>>
    %dma_start3A_91 = arith.constant 0 : i32
    %dma_start3A_92 = tpu.memref_slice %arg6[%dma_start3A_83, %dma_start3A_91] : memref<5x40xi32, #tpu.memory_space<vmem>> -> memref<1x40xi32, #tpu.memory_space<vmem>>
    %dma_start3A_93 = tpu.memref_squeeze %dma_start3A_92 : memref<1x40xi32, #tpu.memory_space<vmem>> -> memref<40xi32, #tpu.memory_space<vmem>>
    %dma_start3A_94 = tpu.memref_slice %arg3[%add3A_80] : memref<320000xi32, #tpu.memory_space<hbm>> -> memref<40xi32, #tpu.memory_space<hbm>>
    tpu.enqueue_dma source(%dma_start3A_94 : memref<40xi32, #tpu.memory_space<hbm>>) target(%dma_start3A_93 : memref<40xi32, #tpu.memory_space<vmem>>) target_semaphore(%dma_start3A_90 : memref<!tpu.dma_semaphore, #tpu.memory_space<semaphore_mem>>)
    %dma_start3A_95 = arith.constant 2 : i32
    %dma_start3A_96 = arith.constant 2 : i32
    %dma_start3A_97 = arith.constant 0 : i32
    %dma_start3A_98 = arith.constant 0 : i32
    %dma_start3A_99 = tpu.memref_slice %arg7[%dma_start3A_95, %dma_start3A_97, %dma_start3A_98] : memref<5x40x128xf32, #tpu.memory_space<vmem>> -> memref<1x40x128xf32, #tpu.memory_space<vmem>>
    %dma_start3A_100 = tpu.memref_squeeze %dma_start3A_99 : memref<1x40x128xf32, #tpu.memory_space<vmem>> -> memref<40x128xf32, #tpu.memory_space<vmem>>
    %dma_start3A_101 = arith.constant 0 : i32
    %dma_start3A_102 = tpu.memref_slice %arg2[%add3A_82, %dma_start3A_101] : memref<320000x128xf32, #tpu.memory_space<hbm>> -> memref<40x128xf32, #tpu.memory_space<hbm>>
    %dma_start3A_103 = tpu.memref_slice %arg10[%dma_start3A_96] : memref<5x!tpu.dma_semaphore, #tpu.memory_space<semaphore_mem>> -> memref<1x!tpu.dma_semaphore, #tpu.memory_space<semaphore_mem>>
    %dma_start3A_104 = tpu.memref_squeeze %dma_start3A_103 : memref<1x!tpu.dma_semaphore, #tpu.memory_space<semaphore_mem>> -> memref<!tpu.dma_semaphore, #tpu.memory_space<semaphore_mem>>
    %dma_start3A_105 = arith.constant 0 : i32
    %dma_start3A_106 = arith.constant 0 : i32
    %dma_start3A_107 = tpu.memref_slice %arg7[%dma_start3A_95, %dma_start3A_105, %dma_start3A_106] : memref<5x40x128xf32, #tpu.memory_space<vmem>> -> memref<1x40x128xf32, #tpu.memory_space<vmem>>
    %dma_start3A_108 = tpu.memref_squeeze %dma_start3A_107 : memref<1x40x128xf32, #tpu.memory_space<vmem>> -> memref<40x128xf32, #tpu.memory_space<vmem>>
    %dma_start3A_109 = arith.constant 0 : i32
    %dma_start3A_110 = tpu.memref_slice %arg2[%add3A_82, %dma_start3A_109] : memref<320000x128xf32, #tpu.memory_space<hbm>> -> memref<40x128xf32, #tpu.memory_space<hbm>>
    tpu.enqueue_dma source(%dma_start3A_110 : memref<40x128xf32, #tpu.memory_space<hbm>>) target(%dma_start3A_108 : memref<40x128xf32, #tpu.memory_space<vmem>>) target_semaphore(%dma_start3A_104 : memref<!tpu.dma_semaphore, #tpu.memory_space<semaphore_mem>>)
    %scan3A = arith.constant 0 : i32
    %scan3A_111 = arith.constant 0 : i32
    %scan3A_112 = arith.constant 50 : i32
    %scan3A_113 = arith.addi %scan3A_111, %scan3A_112 : i32
    %scan3A_114 = arith.constant 1 : i32
    scf.for %scan3A_198 = %scan3A_111 to %scan3A_113 step %scan3A_114  : i32 {
      %mul3A_199 = arith.constant 5 : i32
      %mul3A_200 = arith.muli %scan3A_198, %mul3A_199 : i32
      %add3A_201 = arith.constant 0 : i32
      %add3A_202 = arith.addi %mul3A_200, %add3A_201 : i32
      %add3A_203 = arith.constant 0 : i32
      %add3A_204 = arith.addi %add3A_203, %mul3A_9 : i32
      %mul3A_205 = arith.constant 40 : i32
      %mul3A_206 = arith.muli %add3A_202, %mul3A_205 : i32
      %add3A_207 = arith.addi %add3A_204, %mul3A_206 : i32
      %mul3A_208 = arith.constant 40 : i32
      %mul3A_209 = arith.muli %add3A_202, %mul3A_208 : i32
      %add3A_210 = arith.addi %mul3A_9, %mul3A_209 : i32
      %dma_wait3A_211 = arith.constant 0 : i32
      %dma_wait3A_212 = arith.constant 0 : i32
      %dma_wait3A_213 = arith.constant 0 : i32
      %dma_wait3A_214 = tpu.memref_slice %arg6[%dma_wait3A_211, %dma_wait3A_213] : memref<5x40xi32, #tpu.memory_space<vmem>> -> memref<1x40xi32, #tpu.memory_space<vmem>>
      %dma_wait3A_215 = tpu.memref_squeeze %dma_wait3A_214 : memref<1x40xi32, #tpu.memory_space<vmem>> -> memref<40xi32, #tpu.memory_space<vmem>>
      %dma_wait3A_216 = tpu.memref_slice %arg3[%add3A_207] : memref<320000xi32, #tpu.memory_space<hbm>> -> memref<40xi32, #tpu.memory_space<hbm>>
      %dma_wait3A_217 = tpu.memref_slice %arg9[%dma_wait3A_212] : memref<5x!tpu.dma_semaphore, #tpu.memory_space<semaphore_mem>> -> memref<1x!tpu.dma_semaphore, #tpu.memory_space<semaphore_mem>>
      %dma_wait3A_218 = tpu.memref_squeeze %dma_wait3A_217 : memref<1x!tpu.dma_semaphore, #tpu.memory_space<semaphore_mem>> -> memref<!tpu.dma_semaphore, #tpu.memory_space<semaphore_mem>>
      %dma_wait3A_219 = arith.constant 0 : i32
      %dma_wait3A_220 = tpu.memref_slice %arg6[%dma_wait3A_211, %dma_wait3A_219] : memref<5x40xi32, #tpu.memory_space<vmem>> -> memref<1x40xi32, #tpu.memory_space<vmem>>
      %dma_wait3A_221 = tpu.memref_squeeze %dma_wait3A_220 : memref<1x40xi32, #tpu.memory_space<vmem>> -> memref<40xi32, #tpu.memory_space<vmem>>
      %dma_wait3A_222 = tpu.memref_slice %arg3[%add3A_207] : memref<320000xi32, #tpu.memory_space<hbm>> -> memref<40xi32, #tpu.memory_space<hbm>>
      tpu.wait_dma2 semaphore(%dma_wait3A_218 : memref<!tpu.dma_semaphore, #tpu.memory_space<semaphore_mem>>) src(%dma_wait3A_222 : memref<40xi32, #tpu.memory_space<hbm>>) dst(%dma_wait3A_221 : memref<40xi32, #tpu.memory_space<vmem>>)
      %dma_wait3A_223 = arith.constant 0 : i32
      %dma_wait3A_224 = arith.constant 0 : i32
      %dma_wait3A_225 = arith.constant 0 : i32
      %dma_wait3A_226 = arith.constant 0 : i32
      %dma_wait3A_227 = tpu.memref_slice %arg7[%dma_wait3A_223, %dma_wait3A_225, %dma_wait3A_226] : memref<5x40x128xf32, #tpu.memory_space<vmem>> -> memref<1x40x128xf32, #tpu.memory_space<vmem>>
      %dma_wait3A_228 = tpu.memref_squeeze %dma_wait3A_227 : memref<1x40x128xf32, #tpu.memory_space<vmem>> -> memref<40x128xf32, #tpu.memory_space<vmem>>
      %dma_wait3A_229 = arith.constant 0 : i32
      %dma_wait3A_230 = tpu.memref_slice %arg2[%add3A_210, %dma_wait3A_229] : memref<320000x128xf32, #tpu.memory_space<hbm>> -> memref<40x128xf32, #tpu.memory_space<hbm>>
      %dma_wait3A_231 = tpu.memref_slice %arg10[%dma_wait3A_224] : memref<5x!tpu.dma_semaphore, #tpu.memory_space<semaphore_mem>> -> memref<1x!tpu.dma_semaphore, #tpu.memory_space<semaphore_mem>>
      %dma_wait3A_232 = tpu.memref_squeeze %dma_wait3A_231 : memref<1x!tpu.dma_semaphore, #tpu.memory_space<semaphore_mem>> -> memref<!tpu.dma_semaphore, #tpu.memory_space<semaphore_mem>>
      %dma_wait3A_233 = arith.constant 0 : i32
      %dma_wait3A_234 = arith.constant 0 : i32
      %dma_wait3A_235 = tpu.memref_slice %arg7[%dma_wait3A_223, %dma_wait3A_233, %dma_wait3A_234] : memref<5x40x128xf32, #tpu.memory_space<vmem>> -> memref<1x40x128xf32, #tpu.memory_space<vmem>>
      %dma_wait3A_236 = tpu.memref_squeeze %dma_wait3A_235 : memref<1x40x128xf32, #tpu.memory_space<vmem>> -> memref<40x128xf32, #tpu.memory_space<vmem>>
      %dma_wait3A_237 = arith.constant 0 : i32
      %dma_wait3A_238 = tpu.memref_slice %arg2[%add3A_210, %dma_wait3A_237] : memref<320000x128xf32, #tpu.memory_space<hbm>> -> memref<40x128xf32, #tpu.memory_space<hbm>>
      tpu.wait_dma2 semaphore(%dma_wait3A_232 : memref<!tpu.dma_semaphore, #tpu.memory_space<semaphore_mem>>) src(%dma_wait3A_238 : memref<40x128xf32, #tpu.memory_space<hbm>>) dst(%dma_wait3A_236 : memref<40x128xf32, #tpu.memory_space<vmem>>)
      %dma_start3A_239 = arith.constant 0 : i32
      %dma_start3A_240 = arith.constant 0 : i32
      %dma_start3A_241 = arith.constant 0 : i32
      %dma_start3A_242 = arith.constant 0 : i32
      %dma_start3A_243 = arith.constant 0 : i32
      %dma_start3A_244 = tpu.memref_slice %arg7[%dma_start3A_239, %dma_start3A_242, %dma_start3A_243] : memref<5x40x128xf32, #tpu.memory_space<vmem>> -> memref<1x40x128xf32, #tpu.memory_space<vmem>>
      %dma_start3A_245 = tpu.memref_squeeze %dma_start3A_244 : memref<1x40x128xf32, #tpu.memory_space<vmem>> -> memref<40x128xf32, #tpu.memory_space<vmem>>
      %dma_start3A_246 = arith.constant 0 : i32
      %dma_start3A_247 = tpu.memref_slice %arg6[%dma_start3A_240, %dma_start3A_246] : memref<5x40xi32, #tpu.memory_space<vmem>> -> memref<1x40xi32, #tpu.memory_space<vmem>>
      %dma_start3A_248 = tpu.memref_squeeze %dma_start3A_247 : memref<1x40xi32, #tpu.memory_space<vmem>> -> memref<40xi32, #tpu.memory_space<vmem>>
      %dma_start3A_249 = arith.constant 0 : i32
      %dma_start3A_250 = arith.constant 0 : i32
      %dma_start3A_251 = tpu.memref_slice %arg8[%dma_start3A_249, %dma_start3A_250] : memref<10112x128xf32, #tpu.memory_space<vmem_shared>> -> memref<10112x128xf32, #tpu.memory_space<vmem_shared>>
      %dma_start3A_252 = tpu.memref_slice %arg11[%dma_start3A_241] : memref<5x!tpu.dma_semaphore, #tpu.memory_space<semaphore_mem>> -> memref<1x!tpu.dma_semaphore, #tpu.memory_space<semaphore_mem>>
      %dma_start3A_253 = tpu.memref_squeeze %dma_start3A_252 : memref<1x!tpu.dma_semaphore, #tpu.memory_space<semaphore_mem>> -> memref<!tpu.dma_semaphore, #tpu.memory_space<semaphore_mem>>
      tpu.enqueue_indirect_dma source(%dma_start3A_245 : memref<40x128xf32, #tpu.memory_space<vmem>>) target(%dma_start3A_251 : memref<10112x128xf32, #tpu.memory_space<vmem_shared>>) offsets(%dma_start3A_248 : memref<40xi32, #tpu.memory_space<vmem>>) semaphore(%dma_start3A_253 : memref<!tpu.dma_semaphore, #tpu.memory_space<semaphore_mem>>) {add = true}
      %add3A_254 = arith.constant 3 : i32
      %add3A_255 = arith.addi %add3A_202, %add3A_254 : i32
      %lt3A = arith.constant 250 : i32
      %lt3A_256 = arith.cmpi slt, %add3A_255, %lt3A : i32
      %ge3A = arith.constant 5 : i32
      %ge3A_257 = arith.cmpi sge, %add3A_255, %ge3A : i32
      %and3A = arith.andi %lt3A_256, %ge3A_257 : i1
      %convert_element_type3A = arith.extui %and3A : i1 to i32
      %cond3A = arith.constant 0 : i32
      %cond3A_258 = arith.cmpi ne, %convert_element_type3A, %cond3A : i32
      scf.if %cond3A_258 {
        %sub3A = arith.constant 5 : i32
        %sub3A_544 = arith.subi %add3A_255, %sub3A : i32
        %dma_wait3A_545 = arith.constant 3 : i32
        %dma_wait3A_546 = arith.constant 3 : i32
        %dma_wait3A_547 = arith.constant 3 : i32
        %dma_wait3A_548 = arith.constant 0 : i32
        %dma_wait3A_549 = arith.constant 0 : i32
        %dma_wait3A_550 = tpu.memref_slice %arg7[%dma_wait3A_545, %dma_wait3A_548, %dma_wait3A_549] : memref<5x40x128xf32, #tpu.memory_space<vmem>> -> memref<1x40x128xf32, #tpu.memory_space<vmem>>
        %dma_wait3A_551 = tpu.memref_squeeze %dma_wait3A_550 : memref<1x40x128xf32, #tpu.memory_space<vmem>> -> memref<40x128xf32, #tpu.memory_space<vmem>>
        %dma_wait3A_552 = arith.constant 0 : i32
        %dma_wait3A_553 = tpu.memref_slice %arg6[%dma_wait3A_546, %dma_wait3A_552] : memref<5x40xi32, #tpu.memory_space<vmem>> -> memref<1x40xi32, #tpu.memory_space<vmem>>
        %dma_wait3A_554 = tpu.memref_squeeze %dma_wait3A_553 : memref<1x40xi32, #tpu.memory_space<vmem>> -> memref<40xi32, #tpu.memory_space<vmem>>
        %dma_wait3A_555 = arith.constant 0 : i32
        %dma_wait3A_556 = arith.constant 0 : i32
        %dma_wait3A_557 = tpu.memref_slice %arg8[%dma_wait3A_555, %dma_wait3A_556] : memref<10112x128xf32, #tpu.memory_space<vmem_shared>> -> memref<10112x128xf32, #tpu.memory_space<vmem_shared>>
        %dma_wait3A_558 = tpu.memref_slice %arg11[%dma_wait3A_547] : memref<5x!tpu.dma_semaphore, #tpu.memory_space<semaphore_mem>> -> memref<1x!tpu.dma_semaphore, #tpu.memory_space<semaphore_mem>>
        %dma_wait3A_559 = tpu.memref_squeeze %dma_wait3A_558 : memref<1x!tpu.dma_semaphore, #tpu.memory_space<semaphore_mem>> -> memref<!tpu.dma_semaphore, #tpu.memory_space<semaphore_mem>>
        tpu.wait_indirect_dma semaphore(%dma_wait3A_559 : memref<!tpu.dma_semaphore, #tpu.memory_space<semaphore_mem>>) src(%dma_wait3A_551 : memref<40x128xf32, #tpu.memory_space<vmem>>) dst(%dma_wait3A_557 : memref<10112x128xf32, #tpu.memory_space<vmem_shared>>)
      } else {
      }
      %lt3A_259 = arith.constant 250 : i32
      %lt3A_260 = arith.cmpi slt, %add3A_255, %lt3A_259 : i32
      %convert_element_type3A_261 = arith.extui %lt3A_260 : i1 to i32
      %cond3A_262 = arith.constant 0 : i32
      %cond3A_263 = arith.cmpi ne, %convert_element_type3A_261, %cond3A_262 : i32
      scf.if %cond3A_263 {
        %add3A_544 = arith.constant 0 : i32
        %add3A_545 = arith.addi %add3A_544, %mul3A_9 : i32
        %mul3A_546 = arith.constant 40 : i32
        %mul3A_547 = arith.muli %add3A_255, %mul3A_546 : i32
        %add3A_548 = arith.addi %add3A_545, %mul3A_547 : i32
        %mul3A_549 = arith.constant 40 : i32
        %mul3A_550 = arith.muli %add3A_255, %mul3A_549 : i32
        %add3A_551 = arith.addi %mul3A_9, %mul3A_550 : i32
        %dma_start3A_552 = arith.constant 3 : i32
        %dma_start3A_553 = arith.constant 3 : i32
        %dma_start3A_554 = arith.constant 0 : i32
        %dma_start3A_555 = tpu.memref_slice %arg6[%dma_start3A_552, %dma_start3A_554] : memref<5x40xi32, #tpu.memory_space<vmem>> -> memref<1x40xi32, #tpu.memory_space<vmem>>
        %dma_start3A_556 = tpu.memref_squeeze %dma_start3A_555 : memref<1x40xi32, #tpu.memory_space<vmem>> -> memref<40xi32, #tpu.memory_space<vmem>>
        %dma_start3A_557 = tpu.memref_slice %arg3[%add3A_548] : memref<320000xi32, #tpu.memory_space<hbm>> -> memref<40xi32, #tpu.memory_space<hbm>>
        %dma_start3A_558 = tpu.memref_slice %arg9[%dma_start3A_553] : memref<5x!tpu.dma_semaphore, #tpu.memory_space<semaphore_mem>> -> memref<1x!tpu.dma_semaphore, #tpu.memory_space<semaphore_mem>>
        %dma_start3A_559 = tpu.memref_squeeze %dma_start3A_558 : memref<1x!tpu.dma_semaphore, #tpu.memory_space<semaphore_mem>> -> memref<!tpu.dma_semaphore, #tpu.memory_space<semaphore_mem>>
        %dma_start3A_560 = arith.constant 0 : i32
        %dma_start3A_561 = tpu.memref_slice %arg6[%dma_start3A_552, %dma_start3A_560] : memref<5x40xi32, #tpu.memory_space<vmem>> -> memref<1x40xi32, #tpu.memory_space<vmem>>
        %dma_start3A_562 = tpu.memref_squeeze %dma_start3A_561 : memref<1x40xi32, #tpu.memory_space<vmem>> -> memref<40xi32, #tpu.memory_space<vmem>>
        %dma_start3A_563 = tpu.memref_slice %arg3[%add3A_548] : memref<320000xi32, #tpu.memory_space<hbm>> -> memref<40xi32, #tpu.memory_space<hbm>>
        tpu.enqueue_dma source(%dma_start3A_563 : memref<40xi32, #tpu.memory_space<hbm>>) target(%dma_start3A_562 : memref<40xi32, #tpu.memory_space<vmem>>) target_semaphore(%dma_start3A_559 : memref<!tpu.dma_semaphore, #tpu.memory_space<semaphore_mem>>)
        %dma_start3A_564 = arith.constant 3 : i32
        %dma_start3A_565 = arith.constant 3 : i32
        %dma_start3A_566 = arith.constant 0 : i32
        %dma_start3A_567 = arith.constant 0 : i32
        %dma_start3A_568 = tpu.memref_slice %arg7[%dma_start3A_564, %dma_start3A_566, %dma_start3A_567] : memref<5x40x128xf32, #tpu.memory_space<vmem>> -> memref<1x40x128xf32, #tpu.memory_space<vmem>>
        %dma_start3A_569 = tpu.memref_squeeze %dma_start3A_568 : memref<1x40x128xf32, #tpu.memory_space<vmem>> -> memref<40x128xf32, #tpu.memory_space<vmem>>
        %dma_start3A_570 = arith.constant 0 : i32
        %dma_start3A_571 = tpu.memref_slice %arg2[%add3A_551, %dma_start3A_570] : memref<320000x128xf32, #tpu.memory_space<hbm>> -> memref<40x128xf32, #tpu.memory_space<hbm>>
        %dma_start3A_572 = tpu.memref_slice %arg10[%dma_start3A_565] : memref<5x!tpu.dma_semaphore, #tpu.memory_space<semaphore_mem>> -> memref<1x!tpu.dma_semaphore, #tpu.memory_space<semaphore_mem>>
        %dma_start3A_573 = tpu.memref_squeeze %dma_start3A_572 : memref<1x!tpu.dma_semaphore, #tpu.memory_space<semaphore_mem>> -> memref<!tpu.dma_semaphore, #tpu.memory_space<semaphore_mem>>
        %dma_start3A_574 = arith.constant 0 : i32
        %dma_start3A_575 = arith.constant 0 : i32
        %dma_start3A_576 = tpu.memref_slice %arg7[%dma_start3A_564, %dma_start3A_574, %dma_start3A_575] : memref<5x40x128xf32, #tpu.memory_space<vmem>> -> memref<1x40x128xf32, #tpu.memory_space<vmem>>
        %dma_start3A_577 = tpu.memref_squeeze %dma_start3A_576 : memref<1x40x128xf32, #tpu.memory_space<vmem>> -> memref<40x128xf32, #tpu.memory_space<vmem>>
        %dma_start3A_578 = arith.constant 0 : i32
        %dma_start3A_579 = tpu.memref_slice %arg2[%add3A_551, %dma_start3A_578] : memref<320000x128xf32, #tpu.memory_space<hbm>> -> memref<40x128xf32, #tpu.memory_space<hbm>>
        tpu.enqueue_dma source(%dma_start3A_579 : memref<40x128xf32, #tpu.memory_space<hbm>>) target(%dma_start3A_577 : memref<40x128xf32, #tpu.memory_space<vmem>>) target_semaphore(%dma_start3A_573 : memref<!tpu.dma_semaphore, #tpu.memory_space<semaphore_mem>>)
      } else {
      }
      %mul3A_264 = arith.constant 5 : i32
      %mul3A_265 = arith.muli %scan3A_198, %mul3A_264 : i32
      %add3A_266 = arith.constant 1 : i32
      %add3A_267 = arith.addi %mul3A_265, %add3A_266 : i32
      %add3A_268 = arith.constant 0 : i32
      %add3A_269 = arith.addi %add3A_268, %mul3A_9 : i32
      %mul3A_270 = arith.constant 40 : i32
      %mul3A_271 = arith.muli %add3A_267, %mul3A_270 : i32
      %add3A_272 = arith.addi %add3A_269, %mul3A_271 : i32
      %mul3A_273 = arith.constant 40 : i32
      %mul3A_274 = arith.muli %add3A_267, %mul3A_273 : i32
      %add3A_275 = arith.addi %mul3A_9, %mul3A_274 : i32
      %dma_wait3A_276 = arith.constant 1 : i32
      %dma_wait3A_277 = arith.constant 1 : i32
      %dma_wait3A_278 = arith.constant 0 : i32
      %dma_wait3A_279 = tpu.memref_slice %arg6[%dma_wait3A_276, %dma_wait3A_278] : memref<5x40xi32, #tpu.memory_space<vmem>> -> memref<1x40xi32, #tpu.memory_space<vmem>>
      %dma_wait3A_280 = tpu.memref_squeeze %dma_wait3A_279 : memref<1x40xi32, #tpu.memory_space<vmem>> -> memref<40xi32, #tpu.memory_space<vmem>>
      %dma_wait3A_281 = tpu.memref_slice %arg3[%add3A_272] : memref<320000xi32, #tpu.memory_space<hbm>> -> memref<40xi32, #tpu.memory_space<hbm>>
      %dma_wait3A_282 = tpu.memref_slice %arg9[%dma_wait3A_277] : memref<5x!tpu.dma_semaphore, #tpu.memory_space<semaphore_mem>> -> memref<1x!tpu.dma_semaphore, #tpu.memory_space<semaphore_mem>>
      %dma_wait3A_283 = tpu.memref_squeeze %dma_wait3A_282 : memref<1x!tpu.dma_semaphore, #tpu.memory_space<semaphore_mem>> -> memref<!tpu.dma_semaphore, #tpu.memory_space<semaphore_mem>>
      %dma_wait3A_284 = arith.constant 0 : i32
      %dma_wait3A_285 = tpu.memref_slice %arg6[%dma_wait3A_276, %dma_wait3A_284] : memref<5x40xi32, #tpu.memory_space<vmem>> -> memref<1x40xi32, #tpu.memory_space<vmem>>
      %dma_wait3A_286 = tpu.memref_squeeze %dma_wait3A_285 : memref<1x40xi32, #tpu.memory_space<vmem>> -> memref<40xi32, #tpu.memory_space<vmem>>
      %dma_wait3A_287 = tpu.memref_slice %arg3[%add3A_272] : memref<320000xi32, #tpu.memory_space<hbm>> -> memref<40xi32, #tpu.memory_space<hbm>>
      tpu.wait_dma2 semaphore(%dma_wait3A_283 : memref<!tpu.dma_semaphore, #tpu.memory_space<semaphore_mem>>) src(%dma_wait3A_287 : memref<40xi32, #tpu.memory_space<hbm>>) dst(%dma_wait3A_286 : memref<40xi32, #tpu.memory_space<vmem>>)
      %dma_wait3A_288 = arith.constant 1 : i32
      %dma_wait3A_289 = arith.constant 1 : i32
      %dma_wait3A_290 = arith.constant 0 : i32
      %dma_wait3A_291 = arith.constant 0 : i32
      %dma_wait3A_292 = tpu.memref_slice %arg7[%dma_wait3A_288, %dma_wait3A_290, %dma_wait3A_291] : memref<5x40x128xf32, #tpu.memory_space<vmem>> -> memref<1x40x128xf32, #tpu.memory_space<vmem>>
      %dma_wait3A_293 = tpu.memref_squeeze %dma_wait3A_292 : memref<1x40x128xf32, #tpu.memory_space<vmem>> -> memref<40x128xf32, #tpu.memory_space<vmem>>
      %dma_wait3A_294 = arith.constant 0 : i32
      %dma_wait3A_295 = tpu.memref_slice %arg2[%add3A_275, %dma_wait3A_294] : memref<320000x128xf32, #tpu.memory_space<hbm>> -> memref<40x128xf32, #tpu.memory_space<hbm>>
      %dma_wait3A_296 = tpu.memref_slice %arg10[%dma_wait3A_289] : memref<5x!tpu.dma_semaphore, #tpu.memory_space<semaphore_mem>> -> memref<1x!tpu.dma_semaphore, #tpu.memory_space<semaphore_mem>>
      %dma_wait3A_297 = tpu.memref_squeeze %dma_wait3A_296 : memref<1x!tpu.dma_semaphore, #tpu.memory_space<semaphore_mem>> -> memref<!tpu.dma_semaphore, #tpu.memory_space<semaphore_mem>>
      %dma_wait3A_298 = arith.constant 0 : i32
      %dma_wait3A_299 = arith.constant 0 : i32
      %dma_wait3A_300 = tpu.memref_slice %arg7[%dma_wait3A_288, %dma_wait3A_298, %dma_wait3A_299] : memref<5x40x128xf32, #tpu.memory_space<vmem>> -> memref<1x40x128xf32, #tpu.memory_space<vmem>>
      %dma_wait3A_301 = tpu.memref_squeeze %dma_wait3A_300 : memref<1x40x128xf32, #tpu.memory_space<vmem>> -> memref<40x128xf32, #tpu.memory_space<vmem>>
      %dma_wait3A_302 = arith.constant 0 : i32
      %dma_wait3A_303 = tpu.memref_slice %arg2[%add3A_275, %dma_wait3A_302] : memref<320000x128xf32, #tpu.memory_space<hbm>> -> memref<40x128xf32, #tpu.memory_space<hbm>>
      tpu.wait_dma2 semaphore(%dma_wait3A_297 : memref<!tpu.dma_semaphore, #tpu.memory_space<semaphore_mem>>) src(%dma_wait3A_303 : memref<40x128xf32, #tpu.memory_space<hbm>>) dst(%dma_wait3A_301 : memref<40x128xf32, #tpu.memory_space<vmem>>)
      %dma_start3A_304 = arith.constant 1 : i32
      %dma_start3A_305 = arith.constant 1 : i32
      %dma_start3A_306 = arith.constant 1 : i32
      %dma_start3A_307 = arith.constant 0 : i32
      %dma_start3A_308 = arith.constant 0 : i32
      %dma_start3A_309 = tpu.memref_slice %arg7[%dma_start3A_304, %dma_start3A_307, %dma_start3A_308] : memref<5x40x128xf32, #tpu.memory_space<vmem>> -> memref<1x40x128xf32, #tpu.memory_space<vmem>>
      %dma_start3A_310 = tpu.memref_squeeze %dma_start3A_309 : memref<1x40x128xf32, #tpu.memory_space<vmem>> -> memref<40x128xf32, #tpu.memory_space<vmem>>
      %dma_start3A_311 = arith.constant 0 : i32
      %dma_start3A_312 = tpu.memref_slice %arg6[%dma_start3A_305, %dma_start3A_311] : memref<5x40xi32, #tpu.memory_space<vmem>> -> memref<1x40xi32, #tpu.memory_space<vmem>>
      %dma_start3A_313 = tpu.memref_squeeze %dma_start3A_312 : memref<1x40xi32, #tpu.memory_space<vmem>> -> memref<40xi32, #tpu.memory_space<vmem>>
      %dma_start3A_314 = arith.constant 0 : i32
      %dma_start3A_315 = arith.constant 0 : i32
      %dma_start3A_316 = tpu.memref_slice %arg8[%dma_start3A_314, %dma_start3A_315] : memref<10112x128xf32, #tpu.memory_space<vmem_shared>> -> memref<10112x128xf32, #tpu.memory_space<vmem_shared>>
      %dma_start3A_317 = tpu.memref_slice %arg11[%dma_start3A_306] : memref<5x!tpu.dma_semaphore, #tpu.memory_space<semaphore_mem>> -> memref<1x!tpu.dma_semaphore, #tpu.memory_space<semaphore_mem>>
      %dma_start3A_318 = tpu.memref_squeeze %dma_start3A_317 : memref<1x!tpu.dma_semaphore, #tpu.memory_space<semaphore_mem>> -> memref<!tpu.dma_semaphore, #tpu.memory_space<semaphore_mem>>
      tpu.enqueue_indirect_dma source(%dma_start3A_310 : memref<40x128xf32, #tpu.memory_space<vmem>>) target(%dma_start3A_316 : memref<10112x128xf32, #tpu.memory_space<vmem_shared>>) offsets(%dma_start3A_313 : memref<40xi32, #tpu.memory_space<vmem>>) semaphore(%dma_start3A_318 : memref<!tpu.dma_semaphore, #tpu.memory_space<semaphore_mem>>) {add = true}
      %add3A_319 = arith.constant 3 : i32
      %add3A_320 = arith.addi %add3A_267, %add3A_319 : i32
      %lt3A_321 = arith.constant 250 : i32
      %lt3A_322 = arith.cmpi slt, %add3A_320, %lt3A_321 : i32
      %ge3A_323 = arith.constant 5 : i32
      %ge3A_324 = arith.cmpi sge, %add3A_320, %ge3A_323 : i32
      %and3A_325 = arith.andi %lt3A_322, %ge3A_324 : i1
      %convert_element_type3A_326 = arith.extui %and3A_325 : i1 to i32
      %cond3A_327 = arith.constant 0 : i32
      %cond3A_328 = arith.cmpi ne, %convert_element_type3A_326, %cond3A_327 : i32
      scf.if %cond3A_328 {
        %sub3A = arith.constant 5 : i32
        %sub3A_544 = arith.subi %add3A_320, %sub3A : i32
        %dma_wait3A_545 = arith.constant 4 : i32
        %dma_wait3A_546 = arith.constant 4 : i32
        %dma_wait3A_547 = arith.constant 4 : i32
        %dma_wait3A_548 = arith.constant 0 : i32
        %dma_wait3A_549 = arith.constant 0 : i32
        %dma_wait3A_550 = tpu.memref_slice %arg7[%dma_wait3A_545, %dma_wait3A_548, %dma_wait3A_549] : memref<5x40x128xf32, #tpu.memory_space<vmem>> -> memref<1x40x128xf32, #tpu.memory_space<vmem>>
        %dma_wait3A_551 = tpu.memref_squeeze %dma_wait3A_550 : memref<1x40x128xf32, #tpu.memory_space<vmem>> -> memref<40x128xf32, #tpu.memory_space<vmem>>
        %dma_wait3A_552 = arith.constant 0 : i32
        %dma_wait3A_553 = tpu.memref_slice %arg6[%dma_wait3A_546, %dma_wait3A_552] : memref<5x40xi32, #tpu.memory_space<vmem>> -> memref<1x40xi32, #tpu.memory_space<vmem>>
        %dma_wait3A_554 = tpu.memref_squeeze %dma_wait3A_553 : memref<1x40xi32, #tpu.memory_space<vmem>> -> memref<40xi32, #tpu.memory_space<vmem>>
        %dma_wait3A_555 = arith.constant 0 : i32
        %dma_wait3A_556 = arith.constant 0 : i32
        %dma_wait3A_557 = tpu.memref_slice %arg8[%dma_wait3A_555, %dma_wait3A_556] : memref<10112x128xf32, #tpu.memory_space<vmem_shared>> -> memref<10112x128xf32, #tpu.memory_space<vmem_shared>>
        %dma_wait3A_558 = tpu.memref_slice %arg11[%dma_wait3A_547] : memref<5x!tpu.dma_semaphore, #tpu.memory_space<semaphore_mem>> -> memref<1x!tpu.dma_semaphore, #tpu.memory_space<semaphore_mem>>
        %dma_wait3A_559 = tpu.memref_squeeze %dma_wait3A_558 : memref<1x!tpu.dma_semaphore, #tpu.memory_space<semaphore_mem>> -> memref<!tpu.dma_semaphore, #tpu.memory_space<semaphore_mem>>
        tpu.wait_indirect_dma semaphore(%dma_wait3A_559 : memref<!tpu.dma_semaphore, #tpu.memory_space<semaphore_mem>>) src(%dma_wait3A_551 : memref<40x128xf32, #tpu.memory_space<vmem>>) dst(%dma_wait3A_557 : memref<10112x128xf32, #tpu.memory_space<vmem_shared>>)
      } else {
      }
      %lt3A_329 = arith.constant 250 : i32
      %lt3A_330 = arith.cmpi slt, %add3A_320, %lt3A_329 : i32
      %convert_element_type3A_331 = arith.extui %lt3A_330 : i1 to i32
      %cond3A_332 = arith.constant 0 : i32
      %cond3A_333 = arith.cmpi ne, %convert_element_type3A_331, %cond3A_332 : i32
      scf.if %cond3A_333 {
        %add3A_544 = arith.constant 0 : i32
        %add3A_545 = arith.addi %add3A_544, %mul3A_9 : i32
        %mul3A_546 = arith.constant 40 : i32
        %mul3A_547 = arith.muli %add3A_320, %mul3A_546 : i32
        %add3A_548 = arith.addi %add3A_545, %mul3A_547 : i32
        %mul3A_549 = arith.constant 40 : i32
        %mul3A_550 = arith.muli %add3A_320, %mul3A_549 : i32
        %add3A_551 = arith.addi %mul3A_9, %mul3A_550 : i32
        %dma_start3A_552 = arith.constant 4 : i32
        %dma_start3A_553 = arith.constant 4 : i32
        %dma_start3A_554 = arith.constant 0 : i32
        %dma_start3A_555 = tpu.memref_slice %arg6[%dma_start3A_552, %dma_start3A_554] : memref<5x40xi32, #tpu.memory_space<vmem>> -> memref<1x40xi32, #tpu.memory_space<vmem>>
        %dma_start3A_556 = tpu.memref_squeeze %dma_start3A_555 : memref<1x40xi32, #tpu.memory_space<vmem>> -> memref<40xi32, #tpu.memory_space<vmem>>
        %dma_start3A_557 = tpu.memref_slice %arg3[%add3A_548] : memref<320000xi32, #tpu.memory_space<hbm>> -> memref<40xi32, #tpu.memory_space<hbm>>
        %dma_start3A_558 = tpu.memref_slice %arg9[%dma_start3A_553] : memref<5x!tpu.dma_semaphore, #tpu.memory_space<semaphore_mem>> -> memref<1x!tpu.dma_semaphore, #tpu.memory_space<semaphore_mem>>
        %dma_start3A_559 = tpu.memref_squeeze %dma_start3A_558 : memref<1x!tpu.dma_semaphore, #tpu.memory_space<semaphore_mem>> -> memref<!tpu.dma_semaphore, #tpu.memory_space<semaphore_mem>>
        %dma_start3A_560 = arith.constant 0 : i32
        %dma_start3A_561 = tpu.memref_slice %arg6[%dma_start3A_552, %dma_start3A_560] : memref<5x40xi32, #tpu.memory_space<vmem>> -> memref<1x40xi32, #tpu.memory_space<vmem>>
        %dma_start3A_562 = tpu.memref_squeeze %dma_start3A_561 : memref<1x40xi32, #tpu.memory_space<vmem>> -> memref<40xi32, #tpu.memory_space<vmem>>
        %dma_start3A_563 = tpu.memref_slice %arg3[%add3A_548] : memref<320000xi32, #tpu.memory_space<hbm>> -> memref<40xi32, #tpu.memory_space<hbm>>
        tpu.enqueue_dma source(%dma_start3A_563 : memref<40xi32, #tpu.memory_space<hbm>>) target(%dma_start3A_562 : memref<40xi32, #tpu.memory_space<vmem>>) target_semaphore(%dma_start3A_559 : memref<!tpu.dma_semaphore, #tpu.memory_space<semaphore_mem>>)
        %dma_start3A_564 = arith.constant 4 : i32
        %dma_start3A_565 = arith.constant 4 : i32
        %dma_start3A_566 = arith.constant 0 : i32
        %dma_start3A_567 = arith.constant 0 : i32
        %dma_start3A_568 = tpu.memref_slice %arg7[%dma_start3A_564, %dma_start3A_566, %dma_start3A_567] : memref<5x40x128xf32, #tpu.memory_space<vmem>> -> memref<1x40x128xf32, #tpu.memory_space<vmem>>
        %dma_start3A_569 = tpu.memref_squeeze %dma_start3A_568 : memref<1x40x128xf32, #tpu.memory_space<vmem>> -> memref<40x128xf32, #tpu.memory_space<vmem>>
        %dma_start3A_570 = arith.constant 0 : i32
        %dma_start3A_571 = tpu.memref_slice %arg2[%add3A_551, %dma_start3A_570] : memref<320000x128xf32, #tpu.memory_space<hbm>> -> memref<40x128xf32, #tpu.memory_space<hbm>>
        %dma_start3A_572 = tpu.memref_slice %arg10[%dma_start3A_565] : memref<5x!tpu.dma_semaphore, #tpu.memory_space<semaphore_mem>> -> memref<1x!tpu.dma_semaphore, #tpu.memory_space<semaphore_mem>>
        %dma_start3A_573 = tpu.memref_squeeze %dma_start3A_572 : memref<1x!tpu.dma_semaphore, #tpu.memory_space<semaphore_mem>> -> memref<!tpu.dma_semaphore, #tpu.memory_space<semaphore_mem>>
        %dma_start3A_574 = arith.constant 0 : i32
        %dma_start3A_575 = arith.constant 0 : i32
        %dma_start3A_576 = tpu.memref_slice %arg7[%dma_start3A_564, %dma_start3A_574, %dma_start3A_575] : memref<5x40x128xf32, #tpu.memory_space<vmem>> -> memref<1x40x128xf32, #tpu.memory_space<vmem>>
        %dma_start3A_577 = tpu.memref_squeeze %dma_start3A_576 : memref<1x40x128xf32, #tpu.memory_space<vmem>> -> memref<40x128xf32, #tpu.memory_space<vmem>>
        %dma_start3A_578 = arith.constant 0 : i32
        %dma_start3A_579 = tpu.memref_slice %arg2[%add3A_551, %dma_start3A_578] : memref<320000x128xf32, #tpu.memory_space<hbm>> -> memref<40x128xf32, #tpu.memory_space<hbm>>
        tpu.enqueue_dma source(%dma_start3A_579 : memref<40x128xf32, #tpu.memory_space<hbm>>) target(%dma_start3A_577 : memref<40x128xf32, #tpu.memory_space<vmem>>) target_semaphore(%dma_start3A_573 : memref<!tpu.dma_semaphore, #tpu.memory_space<semaphore_mem>>)
      } else {
      }
      %mul3A_334 = arith.constant 5 : i32
      %mul3A_335 = arith.muli %scan3A_198, %mul3A_334 : i32
      %add3A_336 = arith.constant 2 : i32
      %add3A_337 = arith.addi %mul3A_335, %add3A_336 : i32
      %add3A_338 = arith.constant 0 : i32
      %add3A_339 = arith.addi %add3A_338, %mul3A_9 : i32
      %mul3A_340 = arith.constant 40 : i32
      %mul3A_341 = arith.muli %add3A_337, %mul3A_340 : i32
      %add3A_342 = arith.addi %add3A_339, %mul3A_341 : i32
      %mul3A_343 = arith.constant 40 : i32
      %mul3A_344 = arith.muli %add3A_337, %mul3A_343 : i32
      %add3A_345 = arith.addi %mul3A_9, %mul3A_344 : i32
      %dma_wait3A_346 = arith.constant 2 : i32
      %dma_wait3A_347 = arith.constant 2 : i32
      %dma_wait3A_348 = arith.constant 0 : i32
      %dma_wait3A_349 = tpu.memref_slice %arg6[%dma_wait3A_346, %dma_wait3A_348] : memref<5x40xi32, #tpu.memory_space<vmem>> -> memref<1x40xi32, #tpu.memory_space<vmem>>
      %dma_wait3A_350 = tpu.memref_squeeze %dma_wait3A_349 : memref<1x40xi32, #tpu.memory_space<vmem>> -> memref<40xi32, #tpu.memory_space<vmem>>
      %dma_wait3A_351 = tpu.memref_slice %arg3[%add3A_342] : memref<320000xi32, #tpu.memory_space<hbm>> -> memref<40xi32, #tpu.memory_space<hbm>>
      %dma_wait3A_352 = tpu.memref_slice %arg9[%dma_wait3A_347] : memref<5x!tpu.dma_semaphore, #tpu.memory_space<semaphore_mem>> -> memref<1x!tpu.dma_semaphore, #tpu.memory_space<semaphore_mem>>
      %dma_wait3A_353 = tpu.memref_squeeze %dma_wait3A_352 : memref<1x!tpu.dma_semaphore, #tpu.memory_space<semaphore_mem>> -> memref<!tpu.dma_semaphore, #tpu.memory_space<semaphore_mem>>
      %dma_wait3A_354 = arith.constant 0 : i32
      %dma_wait3A_355 = tpu.memref_slice %arg6[%dma_wait3A_346, %dma_wait3A_354] : memref<5x40xi32, #tpu.memory_space<vmem>> -> memref<1x40xi32, #tpu.memory_space<vmem>>
      %dma_wait3A_356 = tpu.memref_squeeze %dma_wait3A_355 : memref<1x40xi32, #tpu.memory_space<vmem>> -> memref<40xi32, #tpu.memory_space<vmem>>
      %dma_wait3A_357 = tpu.memref_slice %arg3[%add3A_342] : memref<320000xi32, #tpu.memory_space<hbm>> -> memref<40xi32, #tpu.memory_space<hbm>>
      tpu.wait_dma2 semaphore(%dma_wait3A_353 : memref<!tpu.dma_semaphore, #tpu.memory_space<semaphore_mem>>) src(%dma_wait3A_357 : memref<40xi32, #tpu.memory_space<hbm>>) dst(%dma_wait3A_356 : memref<40xi32, #tpu.memory_space<vmem>>)
      %dma_wait3A_358 = arith.constant 2 : i32
      %dma_wait3A_359 = arith.constant 2 : i32
      %dma_wait3A_360 = arith.constant 0 : i32
      %dma_wait3A_361 = arith.constant 0 : i32
      %dma_wait3A_362 = tpu.memref_slice %arg7[%dma_wait3A_358, %dma_wait3A_360, %dma_wait3A_361] : memref<5x40x128xf32, #tpu.memory_space<vmem>> -> memref<1x40x128xf32, #tpu.memory_space<vmem>>
      %dma_wait3A_363 = tpu.memref_squeeze %dma_wait3A_362 : memref<1x40x128xf32, #tpu.memory_space<vmem>> -> memref<40x128xf32, #tpu.memory_space<vmem>>
      %dma_wait3A_364 = arith.constant 0 : i32
      %dma_wait3A_365 = tpu.memref_slice %arg2[%add3A_345, %dma_wait3A_364] : memref<320000x128xf32, #tpu.memory_space<hbm>> -> memref<40x128xf32, #tpu.memory_space<hbm>>
      %dma_wait3A_366 = tpu.memref_slice %arg10[%dma_wait3A_359] : memref<5x!tpu.dma_semaphore, #tpu.memory_space<semaphore_mem>> -> memref<1x!tpu.dma_semaphore, #tpu.memory_space<semaphore_mem>>
      %dma_wait3A_367 = tpu.memref_squeeze %dma_wait3A_366 : memref<1x!tpu.dma_semaphore, #tpu.memory_space<semaphore_mem>> -> memref<!tpu.dma_semaphore, #tpu.memory_space<semaphore_mem>>
      %dma_wait3A_368 = arith.constant 0 : i32
      %dma_wait3A_369 = arith.constant 0 : i32
      %dma_wait3A_370 = tpu.memref_slice %arg7[%dma_wait3A_358, %dma_wait3A_368, %dma_wait3A_369] : memref<5x40x128xf32, #tpu.memory_space<vmem>> -> memref<1x40x128xf32, #tpu.memory_space<vmem>>
      %dma_wait3A_371 = tpu.memref_squeeze %dma_wait3A_370 : memref<1x40x128xf32, #tpu.memory_space<vmem>> -> memref<40x128xf32, #tpu.memory_space<vmem>>
      %dma_wait3A_372 = arith.constant 0 : i32
      %dma_wait3A_373 = tpu.memref_slice %arg2[%add3A_345, %dma_wait3A_372] : memref<320000x128xf32, #tpu.memory_space<hbm>> -> memref<40x128xf32, #tpu.memory_space<hbm>>
      tpu.wait_dma2 semaphore(%dma_wait3A_367 : memref<!tpu.dma_semaphore, #tpu.memory_space<semaphore_mem>>) src(%dma_wait3A_373 : memref<40x128xf32, #tpu.memory_space<hbm>>) dst(%dma_wait3A_371 : memref<40x128xf32, #tpu.memory_space<vmem>>)
      %dma_start3A_374 = arith.constant 2 : i32
      %dma_start3A_375 = arith.constant 2 : i32
      %dma_start3A_376 = arith.constant 2 : i32
      %dma_start3A_377 = arith.constant 0 : i32
      %dma_start3A_378 = arith.constant 0 : i32
      %dma_start3A_379 = tpu.memref_slice %arg7[%dma_start3A_374, %dma_start3A_377, %dma_start3A_378] : memref<5x40x128xf32, #tpu.memory_space<vmem>> -> memref<1x40x128xf32, #tpu.memory_space<vmem>>
      %dma_start3A_380 = tpu.memref_squeeze %dma_start3A_379 : memref<1x40x128xf32, #tpu.memory_space<vmem>> -> memref<40x128xf32, #tpu.memory_space<vmem>>
      %dma_start3A_381 = arith.constant 0 : i32
      %dma_start3A_382 = tpu.memref_slice %arg6[%dma_start3A_375, %dma_start3A_381] : memref<5x40xi32, #tpu.memory_space<vmem>> -> memref<1x40xi32, #tpu.memory_space<vmem>>
      %dma_start3A_383 = tpu.memref_squeeze %dma_start3A_382 : memref<1x40xi32, #tpu.memory_space<vmem>> -> memref<40xi32, #tpu.memory_space<vmem>>
      %dma_start3A_384 = arith.constant 0 : i32
      %dma_start3A_385 = arith.constant 0 : i32
      %dma_start3A_386 = tpu.memref_slice %arg8[%dma_start3A_384, %dma_start3A_385] : memref<10112x128xf32, #tpu.memory_space<vmem_shared>> -> memref<10112x128xf32, #tpu.memory_space<vmem_shared>>
      %dma_start3A_387 = tpu.memref_slice %arg11[%dma_start3A_376] : memref<5x!tpu.dma_semaphore, #tpu.memory_space<semaphore_mem>> -> memref<1x!tpu.dma_semaphore, #tpu.memory_space<semaphore_mem>>
      %dma_start3A_388 = tpu.memref_squeeze %dma_start3A_387 : memref<1x!tpu.dma_semaphore, #tpu.memory_space<semaphore_mem>> -> memref<!tpu.dma_semaphore, #tpu.memory_space<semaphore_mem>>
      tpu.enqueue_indirect_dma source(%dma_start3A_380 : memref<40x128xf32, #tpu.memory_space<vmem>>) target(%dma_start3A_386 : memref<10112x128xf32, #tpu.memory_space<vmem_shared>>) offsets(%dma_start3A_383 : memref<40xi32, #tpu.memory_space<vmem>>) semaphore(%dma_start3A_388 : memref<!tpu.dma_semaphore, #tpu.memory_space<semaphore_mem>>) {add = true}
      %add3A_389 = arith.constant 3 : i32
      %add3A_390 = arith.addi %add3A_337, %add3A_389 : i32
      %lt3A_391 = arith.constant 250 : i32
      %lt3A_392 = arith.cmpi slt, %add3A_390, %lt3A_391 : i32
      %ge3A_393 = arith.constant 5 : i32
      %ge3A_394 = arith.cmpi sge, %add3A_390, %ge3A_393 : i32
      %and3A_395 = arith.andi %lt3A_392, %ge3A_394 : i1
      %convert_element_type3A_396 = arith.extui %and3A_395 : i1 to i32
      %cond3A_397 = arith.constant 0 : i32
      %cond3A_398 = arith.cmpi ne, %convert_element_type3A_396, %cond3A_397 : i32
      scf.if %cond3A_398 {
        %sub3A = arith.constant 5 : i32
        %sub3A_544 = arith.subi %add3A_390, %sub3A : i32
        %dma_wait3A_545 = arith.constant 0 : i32
        %dma_wait3A_546 = arith.constant 0 : i32
        %dma_wait3A_547 = arith.constant 0 : i32
        %dma_wait3A_548 = arith.constant 0 : i32
        %dma_wait3A_549 = arith.constant 0 : i32
        %dma_wait3A_550 = tpu.memref_slice %arg7[%dma_wait3A_545, %dma_wait3A_548, %dma_wait3A_549] : memref<5x40x128xf32, #tpu.memory_space<vmem>> -> memref<1x40x128xf32, #tpu.memory_space<vmem>>
        %dma_wait3A_551 = tpu.memref_squeeze %dma_wait3A_550 : memref<1x40x128xf32, #tpu.memory_space<vmem>> -> memref<40x128xf32, #tpu.memory_space<vmem>>
        %dma_wait3A_552 = arith.constant 0 : i32
        %dma_wait3A_553 = tpu.memref_slice %arg6[%dma_wait3A_546, %dma_wait3A_552] : memref<5x40xi32, #tpu.memory_space<vmem>> -> memref<1x40xi32, #tpu.memory_space<vmem>>
        %dma_wait3A_554 = tpu.memref_squeeze %dma_wait3A_553 : memref<1x40xi32, #tpu.memory_space<vmem>> -> memref<40xi32, #tpu.memory_space<vmem>>
        %dma_wait3A_555 = arith.constant 0 : i32
        %dma_wait3A_556 = arith.constant 0 : i32
        %dma_wait3A_557 = tpu.memref_slice %arg8[%dma_wait3A_555, %dma_wait3A_556] : memref<10112x128xf32, #tpu.memory_space<vmem_shared>> -> memref<10112x128xf32, #tpu.memory_space<vmem_shared>>
        %dma_wait3A_558 = tpu.memref_slice %arg11[%dma_wait3A_547] : memref<5x!tpu.dma_semaphore, #tpu.memory_space<semaphore_mem>> -> memref<1x!tpu.dma_semaphore, #tpu.memory_space<semaphore_mem>>
        %dma_wait3A_559 = tpu.memref_squeeze %dma_wait3A_558 : memref<1x!tpu.dma_semaphore, #tpu.memory_space<semaphore_mem>> -> memref<!tpu.dma_semaphore, #tpu.memory_space<semaphore_mem>>
        tpu.wait_indirect_dma semaphore(%dma_wait3A_559 : memref<!tpu.dma_semaphore, #tpu.memory_space<semaphore_mem>>) src(%dma_wait3A_551 : memref<40x128xf32, #tpu.memory_space<vmem>>) dst(%dma_wait3A_557 : memref<10112x128xf32, #tpu.memory_space<vmem_shared>>)
      } else {
      }
      %lt3A_399 = arith.constant 250 : i32
      %lt3A_400 = arith.cmpi slt, %add3A_390, %lt3A_399 : i32
      %convert_element_type3A_401 = arith.extui %lt3A_400 : i1 to i32
      %cond3A_402 = arith.constant 0 : i32
      %cond3A_403 = arith.cmpi ne, %convert_element_type3A_401, %cond3A_402 : i32
      scf.if %cond3A_403 {
        %add3A_544 = arith.constant 0 : i32
        %add3A_545 = arith.addi %add3A_544, %mul3A_9 : i32
        %mul3A_546 = arith.constant 40 : i32
        %mul3A_547 = arith.muli %add3A_390, %mul3A_546 : i32
        %add3A_548 = arith.addi %add3A_545, %mul3A_547 : i32
        %mul3A_549 = arith.constant 40 : i32
        %mul3A_550 = arith.muli %add3A_390, %mul3A_549 : i32
        %add3A_551 = arith.addi %mul3A_9, %mul3A_550 : i32
        %dma_start3A_552 = arith.constant 0 : i32
        %dma_start3A_553 = arith.constant 0 : i32
        %dma_start3A_554 = arith.constant 0 : i32
        %dma_start3A_555 = tpu.memref_slice %arg6[%dma_start3A_552, %dma_start3A_554] : memref<5x40xi32, #tpu.memory_space<vmem>> -> memref<1x40xi32, #tpu.memory_space<vmem>>
        %dma_start3A_556 = tpu.memref_squeeze %dma_start3A_555 : memref<1x40xi32, #tpu.memory_space<vmem>> -> memref<40xi32, #tpu.memory_space<vmem>>
        %dma_start3A_557 = tpu.memref_slice %arg3[%add3A_548] : memref<320000xi32, #tpu.memory_space<hbm>> -> memref<40xi32, #tpu.memory_space<hbm>>
        %dma_start3A_558 = tpu.memref_slice %arg9[%dma_start3A_553] : memref<5x!tpu.dma_semaphore, #tpu.memory_space<semaphore_mem>> -> memref<1x!tpu.dma_semaphore, #tpu.memory_space<semaphore_mem>>
        %dma_start3A_559 = tpu.memref_squeeze %dma_start3A_558 : memref<1x!tpu.dma_semaphore, #tpu.memory_space<semaphore_mem>> -> memref<!tpu.dma_semaphore, #tpu.memory_space<semaphore_mem>>
        %dma_start3A_560 = arith.constant 0 : i32
        %dma_start3A_561 = tpu.memref_slice %arg6[%dma_start3A_552, %dma_start3A_560] : memref<5x40xi32, #tpu.memory_space<vmem>> -> memref<1x40xi32, #tpu.memory_space<vmem>>
        %dma_start3A_562 = tpu.memref_squeeze %dma_start3A_561 : memref<1x40xi32, #tpu.memory_space<vmem>> -> memref<40xi32, #tpu.memory_space<vmem>>
        %dma_start3A_563 = tpu.memref_slice %arg3[%add3A_548] : memref<320000xi32, #tpu.memory_space<hbm>> -> memref<40xi32, #tpu.memory_space<hbm>>
        tpu.enqueue_dma source(%dma_start3A_563 : memref<40xi32, #tpu.memory_space<hbm>>) target(%dma_start3A_562 : memref<40xi32, #tpu.memory_space<vmem>>) target_semaphore(%dma_start3A_559 : memref<!tpu.dma_semaphore, #tpu.memory_space<semaphore_mem>>)
        %dma_start3A_564 = arith.constant 0 : i32
        %dma_start3A_565 = arith.constant 0 : i32
        %dma_start3A_566 = arith.constant 0 : i32
        %dma_start3A_567 = arith.constant 0 : i32
        %dma_start3A_568 = tpu.memref_slice %arg7[%dma_start3A_564, %dma_start3A_566, %dma_start3A_567] : memref<5x40x128xf32, #tpu.memory_space<vmem>> -> memref<1x40x128xf32, #tpu.memory_space<vmem>>
        %dma_start3A_569 = tpu.memref_squeeze %dma_start3A_568 : memref<1x40x128xf32, #tpu.memory_space<vmem>> -> memref<40x128xf32, #tpu.memory_space<vmem>>
        %dma_start3A_570 = arith.constant 0 : i32
        %dma_start3A_571 = tpu.memref_slice %arg2[%add3A_551, %dma_start3A_570] : memref<320000x128xf32, #tpu.memory_space<hbm>> -> memref<40x128xf32, #tpu.memory_space<hbm>>
        %dma_start3A_572 = tpu.memref_slice %arg10[%dma_start3A_565] : memref<5x!tpu.dma_semaphore, #tpu.memory_space<semaphore_mem>> -> memref<1x!tpu.dma_semaphore, #tpu.memory_space<semaphore_mem>>
        %dma_start3A_573 = tpu.memref_squeeze %dma_start3A_572 : memref<1x!tpu.dma_semaphore, #tpu.memory_space<semaphore_mem>> -> memref<!tpu.dma_semaphore, #tpu.memory_space<semaphore_mem>>
        %dma_start3A_574 = arith.constant 0 : i32
        %dma_start3A_575 = arith.constant 0 : i32
        %dma_start3A_576 = tpu.memref_slice %arg7[%dma_start3A_564, %dma_start3A_574, %dma_start3A_575] : memref<5x40x128xf32, #tpu.memory_space<vmem>> -> memref<1x40x128xf32, #tpu.memory_space<vmem>>
        %dma_start3A_577 = tpu.memref_squeeze %dma_start3A_576 : memref<1x40x128xf32, #tpu.memory_space<vmem>> -> memref<40x128xf32, #tpu.memory_space<vmem>>
        %dma_start3A_578 = arith.constant 0 : i32
        %dma_start3A_579 = tpu.memref_slice %arg2[%add3A_551, %dma_start3A_578] : memref<320000x128xf32, #tpu.memory_space<hbm>> -> memref<40x128xf32, #tpu.memory_space<hbm>>
        tpu.enqueue_dma source(%dma_start3A_579 : memref<40x128xf32, #tpu.memory_space<hbm>>) target(%dma_start3A_577 : memref<40x128xf32, #tpu.memory_space<vmem>>) target_semaphore(%dma_start3A_573 : memref<!tpu.dma_semaphore, #tpu.memory_space<semaphore_mem>>)
      } else {
      }
      %mul3A_404 = arith.constant 5 : i32
      %mul3A_405 = arith.muli %scan3A_198, %mul3A_404 : i32
      %add3A_406 = arith.constant 3 : i32
      %add3A_407 = arith.addi %mul3A_405, %add3A_406 : i32
      %add3A_408 = arith.constant 0 : i32
      %add3A_409 = arith.addi %add3A_408, %mul3A_9 : i32
      %mul3A_410 = arith.constant 40 : i32
      %mul3A_411 = arith.muli %add3A_407, %mul3A_410 : i32
      %add3A_412 = arith.addi %add3A_409, %mul3A_411 : i32
      %mul3A_413 = arith.constant 40 : i32
      %mul3A_414 = arith.muli %add3A_407, %mul3A_413 : i32
      %add3A_415 = arith.addi %mul3A_9, %mul3A_414 : i32
      %dma_wait3A_416 = arith.constant 3 : i32
      %dma_wait3A_417 = arith.constant 3 : i32
      %dma_wait3A_418 = arith.constant 0 : i32
      %dma_wait3A_419 = tpu.memref_slice %arg6[%dma_wait3A_416, %dma_wait3A_418] : memref<5x40xi32, #tpu.memory_space<vmem>> -> memref<1x40xi32, #tpu.memory_space<vmem>>
      %dma_wait3A_420 = tpu.memref_squeeze %dma_wait3A_419 : memref<1x40xi32, #tpu.memory_space<vmem>> -> memref<40xi32, #tpu.memory_space<vmem>>
      %dma_wait3A_421 = tpu.memref_slice %arg3[%add3A_412] : memref<320000xi32, #tpu.memory_space<hbm>> -> memref<40xi32, #tpu.memory_space<hbm>>
      %dma_wait3A_422 = tpu.memref_slice %arg9[%dma_wait3A_417] : memref<5x!tpu.dma_semaphore, #tpu.memory_space<semaphore_mem>> -> memref<1x!tpu.dma_semaphore, #tpu.memory_space<semaphore_mem>>
      %dma_wait3A_423 = tpu.memref_squeeze %dma_wait3A_422 : memref<1x!tpu.dma_semaphore, #tpu.memory_space<semaphore_mem>> -> memref<!tpu.dma_semaphore, #tpu.memory_space<semaphore_mem>>
      %dma_wait3A_424 = arith.constant 0 : i32
      %dma_wait3A_425 = tpu.memref_slice %arg6[%dma_wait3A_416, %dma_wait3A_424] : memref<5x40xi32, #tpu.memory_space<vmem>> -> memref<1x40xi32, #tpu.memory_space<vmem>>
      %dma_wait3A_426 = tpu.memref_squeeze %dma_wait3A_425 : memref<1x40xi32, #tpu.memory_space<vmem>> -> memref<40xi32, #tpu.memory_space<vmem>>
      %dma_wait3A_427 = tpu.memref_slice %arg3[%add3A_412] : memref<320000xi32, #tpu.memory_space<hbm>> -> memref<40xi32, #tpu.memory_space<hbm>>
      tpu.wait_dma2 semaphore(%dma_wait3A_423 : memref<!tpu.dma_semaphore, #tpu.memory_space<semaphore_mem>>) src(%dma_wait3A_427 : memref<40xi32, #tpu.memory_space<hbm>>) dst(%dma_wait3A_426 : memref<40xi32, #tpu.memory_space<vmem>>)
      %dma_wait3A_428 = arith.constant 3 : i32
      %dma_wait3A_429 = arith.constant 3 : i32
      %dma_wait3A_430 = arith.constant 0 : i32
      %dma_wait3A_431 = arith.constant 0 : i32
      %dma_wait3A_432 = tpu.memref_slice %arg7[%dma_wait3A_428, %dma_wait3A_430, %dma_wait3A_431] : memref<5x40x128xf32, #tpu.memory_space<vmem>> -> memref<1x40x128xf32, #tpu.memory_space<vmem>>
      %dma_wait3A_433 = tpu.memref_squeeze %dma_wait3A_432 : memref<1x40x128xf32, #tpu.memory_space<vmem>> -> memref<40x128xf32, #tpu.memory_space<vmem>>
      %dma_wait3A_434 = arith.constant 0 : i32
      %dma_wait3A_435 = tpu.memref_slice %arg2[%add3A_415, %dma_wait3A_434] : memref<320000x128xf32, #tpu.memory_space<hbm>> -> memref<40x128xf32, #tpu.memory_space<hbm>>
      %dma_wait3A_436 = tpu.memref_slice %arg10[%dma_wait3A_429] : memref<5x!tpu.dma_semaphore, #tpu.memory_space<semaphore_mem>> -> memref<1x!tpu.dma_semaphore, #tpu.memory_space<semaphore_mem>>
      %dma_wait3A_437 = tpu.memref_squeeze %dma_wait3A_436 : memref<1x!tpu.dma_semaphore, #tpu.memory_space<semaphore_mem>> -> memref<!tpu.dma_semaphore, #tpu.memory_space<semaphore_mem>>
      %dma_wait3A_438 = arith.constant 0 : i32
      %dma_wait3A_439 = arith.constant 0 : i32
      %dma_wait3A_440 = tpu.memref_slice %arg7[%dma_wait3A_428, %dma_wait3A_438, %dma_wait3A_439] : memref<5x40x128xf32, #tpu.memory_space<vmem>> -> memref<1x40x128xf32, #tpu.memory_space<vmem>>
      %dma_wait3A_441 = tpu.memref_squeeze %dma_wait3A_440 : memref<1x40x128xf32, #tpu.memory_space<vmem>> -> memref<40x128xf32, #tpu.memory_space<vmem>>
      %dma_wait3A_442 = arith.constant 0 : i32
      %dma_wait3A_443 = tpu.memref_slice %arg2[%add3A_415, %dma_wait3A_442] : memref<320000x128xf32, #tpu.memory_space<hbm>> -> memref<40x128xf32, #tpu.memory_space<hbm>>
      tpu.wait_dma2 semaphore(%dma_wait3A_437 : memref<!tpu.dma_semaphore, #tpu.memory_space<semaphore_mem>>) src(%dma_wait3A_443 : memref<40x128xf32, #tpu.memory_space<hbm>>) dst(%dma_wait3A_441 : memref<40x128xf32, #tpu.memory_space<vmem>>)
      %dma_start3A_444 = arith.constant 3 : i32
      %dma_start3A_445 = arith.constant 3 : i32
      %dma_start3A_446 = arith.constant 3 : i32
      %dma_start3A_447 = arith.constant 0 : i32
      %dma_start3A_448 = arith.constant 0 : i32
      %dma_start3A_449 = tpu.memref_slice %arg7[%dma_start3A_444, %dma_start3A_447, %dma_start3A_448] : memref<5x40x128xf32, #tpu.memory_space<vmem>> -> memref<1x40x128xf32, #tpu.memory_space<vmem>>
      %dma_start3A_450 = tpu.memref_squeeze %dma_start3A_449 : memref<1x40x128xf32, #tpu.memory_space<vmem>> -> memref<40x128xf32, #tpu.memory_space<vmem>>
      %dma_start3A_451 = arith.constant 0 : i32
      %dma_start3A_452 = tpu.memref_slice %arg6[%dma_start3A_445, %dma_start3A_451] : memref<5x40xi32, #tpu.memory_space<vmem>> -> memref<1x40xi32, #tpu.memory_space<vmem>>
      %dma_start3A_453 = tpu.memref_squeeze %dma_start3A_452 : memref<1x40xi32, #tpu.memory_space<vmem>> -> memref<40xi32, #tpu.memory_space<vmem>>
      %dma_start3A_454 = arith.constant 0 : i32
      %dma_start3A_455 = arith.constant 0 : i32
      %dma_start3A_456 = tpu.memref_slice %arg8[%dma_start3A_454, %dma_start3A_455] : memref<10112x128xf32, #tpu.memory_space<vmem_shared>> -> memref<10112x128xf32, #tpu.memory_space<vmem_shared>>
      %dma_start3A_457 = tpu.memref_slice %arg11[%dma_start3A_446] : memref<5x!tpu.dma_semaphore, #tpu.memory_space<semaphore_mem>> -> memref<1x!tpu.dma_semaphore, #tpu.memory_space<semaphore_mem>>
      %dma_start3A_458 = tpu.memref_squeeze %dma_start3A_457 : memref<1x!tpu.dma_semaphore, #tpu.memory_space<semaphore_mem>> -> memref<!tpu.dma_semaphore, #tpu.memory_space<semaphore_mem>>
      tpu.enqueue_indirect_dma source(%dma_start3A_450 : memref<40x128xf32, #tpu.memory_space<vmem>>) target(%dma_start3A_456 : memref<10112x128xf32, #tpu.memory_space<vmem_shared>>) offsets(%dma_start3A_453 : memref<40xi32, #tpu.memory_space<vmem>>) semaphore(%dma_start3A_458 : memref<!tpu.dma_semaphore, #tpu.memory_space<semaphore_mem>>) {add = true}
      %add3A_459 = arith.constant 3 : i32
      %add3A_460 = arith.addi %add3A_407, %add3A_459 : i32
      %lt3A_461 = arith.constant 250 : i32
      %lt3A_462 = arith.cmpi slt, %add3A_460, %lt3A_461 : i32
      %ge3A_463 = arith.constant 5 : i32
      %ge3A_464 = arith.cmpi sge, %add3A_460, %ge3A_463 : i32
      %and3A_465 = arith.andi %lt3A_462, %ge3A_464 : i1
      %convert_element_type3A_466 = arith.extui %and3A_465 : i1 to i32
      %cond3A_467 = arith.constant 0 : i32
      %cond3A_468 = arith.cmpi ne, %convert_element_type3A_466, %cond3A_467 : i32
      scf.if %cond3A_468 {
        %sub3A = arith.constant 5 : i32
        %sub3A_544 = arith.subi %add3A_460, %sub3A : i32
        %dma_wait3A_545 = arith.constant 1 : i32
        %dma_wait3A_546 = arith.constant 1 : i32
        %dma_wait3A_547 = arith.constant 1 : i32
        %dma_wait3A_548 = arith.constant 0 : i32
        %dma_wait3A_549 = arith.constant 0 : i32
        %dma_wait3A_550 = tpu.memref_slice %arg7[%dma_wait3A_545, %dma_wait3A_548, %dma_wait3A_549] : memref<5x40x128xf32, #tpu.memory_space<vmem>> -> memref<1x40x128xf32, #tpu.memory_space<vmem>>
        %dma_wait3A_551 = tpu.memref_squeeze %dma_wait3A_550 : memref<1x40x128xf32, #tpu.memory_space<vmem>> -> memref<40x128xf32, #tpu.memory_space<vmem>>
        %dma_wait3A_552 = arith.constant 0 : i32
        %dma_wait3A_553 = tpu.memref_slice %arg6[%dma_wait3A_546, %dma_wait3A_552] : memref<5x40xi32, #tpu.memory_space<vmem>> -> memref<1x40xi32, #tpu.memory_space<vmem>>
        %dma_wait3A_554 = tpu.memref_squeeze %dma_wait3A_553 : memref<1x40xi32, #tpu.memory_space<vmem>> -> memref<40xi32, #tpu.memory_space<vmem>>
        %dma_wait3A_555 = arith.constant 0 : i32
        %dma_wait3A_556 = arith.constant 0 : i32
        %dma_wait3A_557 = tpu.memref_slice %arg8[%dma_wait3A_555, %dma_wait3A_556] : memref<10112x128xf32, #tpu.memory_space<vmem_shared>> -> memref<10112x128xf32, #tpu.memory_space<vmem_shared>>
        %dma_wait3A_558 = tpu.memref_slice %arg11[%dma_wait3A_547] : memref<5x!tpu.dma_semaphore, #tpu.memory_space<semaphore_mem>> -> memref<1x!tpu.dma_semaphore, #tpu.memory_space<semaphore_mem>>
        %dma_wait3A_559 = tpu.memref_squeeze %dma_wait3A_558 : memref<1x!tpu.dma_semaphore, #tpu.memory_space<semaphore_mem>> -> memref<!tpu.dma_semaphore, #tpu.memory_space<semaphore_mem>>
        tpu.wait_indirect_dma semaphore(%dma_wait3A_559 : memref<!tpu.dma_semaphore, #tpu.memory_space<semaphore_mem>>) src(%dma_wait3A_551 : memref<40x128xf32, #tpu.memory_space<vmem>>) dst(%dma_wait3A_557 : memref<10112x128xf32, #tpu.memory_space<vmem_shared>>)
      } else {
      }
      %lt3A_469 = arith.constant 250 : i32
      %lt3A_470 = arith.cmpi slt, %add3A_460, %lt3A_469 : i32
      %convert_element_type3A_471 = arith.extui %lt3A_470 : i1 to i32
      %cond3A_472 = arith.constant 0 : i32
      %cond3A_473 = arith.cmpi ne, %convert_element_type3A_471, %cond3A_472 : i32
      scf.if %cond3A_473 {
        %add3A_544 = arith.constant 0 : i32
        %add3A_545 = arith.addi %add3A_544, %mul3A_9 : i32
        %mul3A_546 = arith.constant 40 : i32
        %mul3A_547 = arith.muli %add3A_460, %mul3A_546 : i32
        %add3A_548 = arith.addi %add3A_545, %mul3A_547 : i32
        %mul3A_549 = arith.constant 40 : i32
        %mul3A_550 = arith.muli %add3A_460, %mul3A_549 : i32
        %add3A_551 = arith.addi %mul3A_9, %mul3A_550 : i32
        %dma_start3A_552 = arith.constant 1 : i32
        %dma_start3A_553 = arith.constant 1 : i32
        %dma_start3A_554 = arith.constant 0 : i32
        %dma_start3A_555 = tpu.memref_slice %arg6[%dma_start3A_552, %dma_start3A_554] : memref<5x40xi32, #tpu.memory_space<vmem>> -> memref<1x40xi32, #tpu.memory_space<vmem>>
        %dma_start3A_556 = tpu.memref_squeeze %dma_start3A_555 : memref<1x40xi32, #tpu.memory_space<vmem>> -> memref<40xi32, #tpu.memory_space<vmem>>
        %dma_start3A_557 = tpu.memref_slice %arg3[%add3A_548] : memref<320000xi32, #tpu.memory_space<hbm>> -> memref<40xi32, #tpu.memory_space<hbm>>
        %dma_start3A_558 = tpu.memref_slice %arg9[%dma_start3A_553] : memref<5x!tpu.dma_semaphore, #tpu.memory_space<semaphore_mem>> -> memref<1x!tpu.dma_semaphore, #tpu.memory_space<semaphore_mem>>
        %dma_start3A_559 = tpu.memref_squeeze %dma_start3A_558 : memref<1x!tpu.dma_semaphore, #tpu.memory_space<semaphore_mem>> -> memref<!tpu.dma_semaphore, #tpu.memory_space<semaphore_mem>>
        %dma_start3A_560 = arith.constant 0 : i32
        %dma_start3A_561 = tpu.memref_slice %arg6[%dma_start3A_552, %dma_start3A_560] : memref<5x40xi32, #tpu.memory_space<vmem>> -> memref<1x40xi32, #tpu.memory_space<vmem>>
        %dma_start3A_562 = tpu.memref_squeeze %dma_start3A_561 : memref<1x40xi32, #tpu.memory_space<vmem>> -> memref<40xi32, #tpu.memory_space<vmem>>
        %dma_start3A_563 = tpu.memref_slice %arg3[%add3A_548] : memref<320000xi32, #tpu.memory_space<hbm>> -> memref<40xi32, #tpu.memory_space<hbm>>
        tpu.enqueue_dma source(%dma_start3A_563 : memref<40xi32, #tpu.memory_space<hbm>>) target(%dma_start3A_562 : memref<40xi32, #tpu.memory_space<vmem>>) target_semaphore(%dma_start3A_559 : memref<!tpu.dma_semaphore, #tpu.memory_space<semaphore_mem>>)
        %dma_start3A_564 = arith.constant 1 : i32
        %dma_start3A_565 = arith.constant 1 : i32
        %dma_start3A_566 = arith.constant 0 : i32
        %dma_start3A_567 = arith.constant 0 : i32
        %dma_start3A_568 = tpu.memref_slice %arg7[%dma_start3A_564, %dma_start3A_566, %dma_start3A_567] : memref<5x40x128xf32, #tpu.memory_space<vmem>> -> memref<1x40x128xf32, #tpu.memory_space<vmem>>
        %dma_start3A_569 = tpu.memref_squeeze %dma_start3A_568 : memref<1x40x128xf32, #tpu.memory_space<vmem>> -> memref<40x128xf32, #tpu.memory_space<vmem>>
        %dma_start3A_570 = arith.constant 0 : i32
        %dma_start3A_571 = tpu.memref_slice %arg2[%add3A_551, %dma_start3A_570] : memref<320000x128xf32, #tpu.memory_space<hbm>> -> memref<40x128xf32, #tpu.memory_space<hbm>>
        %dma_start3A_572 = tpu.memref_slice %arg10[%dma_start3A_565] : memref<5x!tpu.dma_semaphore, #tpu.memory_space<semaphore_mem>> -> memref<1x!tpu.dma_semaphore, #tpu.memory_space<semaphore_mem>>
        %dma_start3A_573 = tpu.memref_squeeze %dma_start3A_572 : memref<1x!tpu.dma_semaphore, #tpu.memory_space<semaphore_mem>> -> memref<!tpu.dma_semaphore, #tpu.memory_space<semaphore_mem>>
        %dma_start3A_574 = arith.constant 0 : i32
        %dma_start3A_575 = arith.constant 0 : i32
        %dma_start3A_576 = tpu.memref_slice %arg7[%dma_start3A_564, %dma_start3A_574, %dma_start3A_575] : memref<5x40x128xf32, #tpu.memory_space<vmem>> -> memref<1x40x128xf32, #tpu.memory_space<vmem>>
        %dma_start3A_577 = tpu.memref_squeeze %dma_start3A_576 : memref<1x40x128xf32, #tpu.memory_space<vmem>> -> memref<40x128xf32, #tpu.memory_space<vmem>>
        %dma_start3A_578 = arith.constant 0 : i32
        %dma_start3A_579 = tpu.memref_slice %arg2[%add3A_551, %dma_start3A_578] : memref<320000x128xf32, #tpu.memory_space<hbm>> -> memref<40x128xf32, #tpu.memory_space<hbm>>
        tpu.enqueue_dma source(%dma_start3A_579 : memref<40x128xf32, #tpu.memory_space<hbm>>) target(%dma_start3A_577 : memref<40x128xf32, #tpu.memory_space<vmem>>) target_semaphore(%dma_start3A_573 : memref<!tpu.dma_semaphore, #tpu.memory_space<semaphore_mem>>)
      } else {
      }
      %mul3A_474 = arith.constant 5 : i32
      %mul3A_475 = arith.muli %scan3A_198, %mul3A_474 : i32
      %add3A_476 = arith.constant 4 : i32
      %add3A_477 = arith.addi %mul3A_475, %add3A_476 : i32
      %add3A_478 = arith.constant 0 : i32
      %add3A_479 = arith.addi %add3A_478, %mul3A_9 : i32
      %mul3A_480 = arith.constant 40 : i32
      %mul3A_481 = arith.muli %add3A_477, %mul3A_480 : i32
      %add3A_482 = arith.addi %add3A_479, %mul3A_481 : i32
      %mul3A_483 = arith.constant 40 : i32
      %mul3A_484 = arith.muli %add3A_477, %mul3A_483 : i32
      %add3A_485 = arith.addi %mul3A_9, %mul3A_484 : i32
      %dma_wait3A_486 = arith.constant 4 : i32
      %dma_wait3A_487 = arith.constant 4 : i32
      %dma_wait3A_488 = arith.constant 0 : i32
      %dma_wait3A_489 = tpu.memref_slice %arg6[%dma_wait3A_486, %dma_wait3A_488] : memref<5x40xi32, #tpu.memory_space<vmem>> -> memref<1x40xi32, #tpu.memory_space<vmem>>
      %dma_wait3A_490 = tpu.memref_squeeze %dma_wait3A_489 : memref<1x40xi32, #tpu.memory_space<vmem>> -> memref<40xi32, #tpu.memory_space<vmem>>
      %dma_wait3A_491 = tpu.memref_slice %arg3[%add3A_482] : memref<320000xi32, #tpu.memory_space<hbm>> -> memref<40xi32, #tpu.memory_space<hbm>>
      %dma_wait3A_492 = tpu.memref_slice %arg9[%dma_wait3A_487] : memref<5x!tpu.dma_semaphore, #tpu.memory_space<semaphore_mem>> -> memref<1x!tpu.dma_semaphore, #tpu.memory_space<semaphore_mem>>
      %dma_wait3A_493 = tpu.memref_squeeze %dma_wait3A_492 : memref<1x!tpu.dma_semaphore, #tpu.memory_space<semaphore_mem>> -> memref<!tpu.dma_semaphore, #tpu.memory_space<semaphore_mem>>
      %dma_wait3A_494 = arith.constant 0 : i32
      %dma_wait3A_495 = tpu.memref_slice %arg6[%dma_wait3A_486, %dma_wait3A_494] : memref<5x40xi32, #tpu.memory_space<vmem>> -> memref<1x40xi32, #tpu.memory_space<vmem>>
      %dma_wait3A_496 = tpu.memref_squeeze %dma_wait3A_495 : memref<1x40xi32, #tpu.memory_space<vmem>> -> memref<40xi32, #tpu.memory_space<vmem>>
      %dma_wait3A_497 = tpu.memref_slice %arg3[%add3A_482] : memref<320000xi32, #tpu.memory_space<hbm>> -> memref<40xi32, #tpu.memory_space<hbm>>
      tpu.wait_dma2 semaphore(%dma_wait3A_493 : memref<!tpu.dma_semaphore, #tpu.memory_space<semaphore_mem>>) src(%dma_wait3A_497 : memref<40xi32, #tpu.memory_space<hbm>>) dst(%dma_wait3A_496 : memref<40xi32, #tpu.memory_space<vmem>>)
      %dma_wait3A_498 = arith.constant 4 : i32
      %dma_wait3A_499 = arith.constant 4 : i32
      %dma_wait3A_500 = arith.constant 0 : i32
      %dma_wait3A_501 = arith.constant 0 : i32
      %dma_wait3A_502 = tpu.memref_slice %arg7[%dma_wait3A_498, %dma_wait3A_500, %dma_wait3A_501] : memref<5x40x128xf32, #tpu.memory_space<vmem>> -> memref<1x40x128xf32, #tpu.memory_space<vmem>>
      %dma_wait3A_503 = tpu.memref_squeeze %dma_wait3A_502 : memref<1x40x128xf32, #tpu.memory_space<vmem>> -> memref<40x128xf32, #tpu.memory_space<vmem>>
      %dma_wait3A_504 = arith.constant 0 : i32
      %dma_wait3A_505 = tpu.memref_slice %arg2[%add3A_485, %dma_wait3A_504] : memref<320000x128xf32, #tpu.memory_space<hbm>> -> memref<40x128xf32, #tpu.memory_space<hbm>>
      %dma_wait3A_506 = tpu.memref_slice %arg10[%dma_wait3A_499] : memref<5x!tpu.dma_semaphore, #tpu.memory_space<semaphore_mem>> -> memref<1x!tpu.dma_semaphore, #tpu.memory_space<semaphore_mem>>
      %dma_wait3A_507 = tpu.memref_squeeze %dma_wait3A_506 : memref<1x!tpu.dma_semaphore, #tpu.memory_space<semaphore_mem>> -> memref<!tpu.dma_semaphore, #tpu.memory_space<semaphore_mem>>
      %dma_wait3A_508 = arith.constant 0 : i32
      %dma_wait3A_509 = arith.constant 0 : i32
      %dma_wait3A_510 = tpu.memref_slice %arg7[%dma_wait3A_498, %dma_wait3A_508, %dma_wait3A_509] : memref<5x40x128xf32, #tpu.memory_space<vmem>> -> memref<1x40x128xf32, #tpu.memory_space<vmem>>
      %dma_wait3A_511 = tpu.memref_squeeze %dma_wait3A_510 : memref<1x40x128xf32, #tpu.memory_space<vmem>> -> memref<40x128xf32, #tpu.memory_space<vmem>>
      %dma_wait3A_512 = arith.constant 0 : i32
      %dma_wait3A_513 = tpu.memref_slice %arg2[%add3A_485, %dma_wait3A_512] : memref<320000x128xf32, #tpu.memory_space<hbm>> -> memref<40x128xf32, #tpu.memory_space<hbm>>
      tpu.wait_dma2 semaphore(%dma_wait3A_507 : memref<!tpu.dma_semaphore, #tpu.memory_space<semaphore_mem>>) src(%dma_wait3A_513 : memref<40x128xf32, #tpu.memory_space<hbm>>) dst(%dma_wait3A_511 : memref<40x128xf32, #tpu.memory_space<vmem>>)
      %dma_start3A_514 = arith.constant 4 : i32
      %dma_start3A_515 = arith.constant 4 : i32
      %dma_start3A_516 = arith.constant 4 : i32
      %dma_start3A_517 = arith.constant 0 : i32
      %dma_start3A_518 = arith.constant 0 : i32
      %dma_start3A_519 = tpu.memref_slice %arg7[%dma_start3A_514, %dma_start3A_517, %dma_start3A_518] : memref<5x40x128xf32, #tpu.memory_space<vmem>> -> memref<1x40x128xf32, #tpu.memory_space<vmem>>
      %dma_start3A_520 = tpu.memref_squeeze %dma_start3A_519 : memref<1x40x128xf32, #tpu.memory_space<vmem>> -> memref<40x128xf32, #tpu.memory_space<vmem>>
      %dma_start3A_521 = arith.constant 0 : i32
      %dma_start3A_522 = tpu.memref_slice %arg6[%dma_start3A_515, %dma_start3A_521] : memref<5x40xi32, #tpu.memory_space<vmem>> -> memref<1x40xi32, #tpu.memory_space<vmem>>
      %dma_start3A_523 = tpu.memref_squeeze %dma_start3A_522 : memref<1x40xi32, #tpu.memory_space<vmem>> -> memref<40xi32, #tpu.memory_space<vmem>>
      %dma_start3A_524 = arith.constant 0 : i32
      %dma_start3A_525 = arith.constant 0 : i32
      %dma_start3A_526 = tpu.memref_slice %arg8[%dma_start3A_524, %dma_start3A_525] : memref<10112x128xf32, #tpu.memory_space<vmem_shared>> -> memref<10112x128xf32, #tpu.memory_space<vmem_shared>>
      %dma_start3A_527 = tpu.memref_slice %arg11[%dma_start3A_516] : memref<5x!tpu.dma_semaphore, #tpu.memory_space<semaphore_mem>> -> memref<1x!tpu.dma_semaphore, #tpu.memory_space<semaphore_mem>>
      %dma_start3A_528 = tpu.memref_squeeze %dma_start3A_527 : memref<1x!tpu.dma_semaphore, #tpu.memory_space<semaphore_mem>> -> memref<!tpu.dma_semaphore, #tpu.memory_space<semaphore_mem>>
      tpu.enqueue_indirect_dma source(%dma_start3A_520 : memref<40x128xf32, #tpu.memory_space<vmem>>) target(%dma_start3A_526 : memref<10112x128xf32, #tpu.memory_space<vmem_shared>>) offsets(%dma_start3A_523 : memref<40xi32, #tpu.memory_space<vmem>>) semaphore(%dma_start3A_528 : memref<!tpu.dma_semaphore, #tpu.memory_space<semaphore_mem>>) {add = true}
      %add3A_529 = arith.constant 3 : i32
      %add3A_530 = arith.addi %add3A_477, %add3A_529 : i32
      %lt3A_531 = arith.constant 250 : i32
      %lt3A_532 = arith.cmpi slt, %add3A_530, %lt3A_531 : i32
      %ge3A_533 = arith.constant 5 : i32
      %ge3A_534 = arith.cmpi sge, %add3A_530, %ge3A_533 : i32
      %and3A_535 = arith.andi %lt3A_532, %ge3A_534 : i1
      %convert_element_type3A_536 = arith.extui %and3A_535 : i1 to i32
      %cond3A_537 = arith.constant 0 : i32
      %cond3A_538 = arith.cmpi ne, %convert_element_type3A_536, %cond3A_537 : i32
      scf.if %cond3A_538 {
        %sub3A = arith.constant 5 : i32
        %sub3A_544 = arith.subi %add3A_530, %sub3A : i32
        %dma_wait3A_545 = arith.constant 2 : i32
        %dma_wait3A_546 = arith.constant 2 : i32
        %dma_wait3A_547 = arith.constant 2 : i32
        %dma_wait3A_548 = arith.constant 0 : i32
        %dma_wait3A_549 = arith.constant 0 : i32
        %dma_wait3A_550 = tpu.memref_slice %arg7[%dma_wait3A_545, %dma_wait3A_548, %dma_wait3A_549] : memref<5x40x128xf32, #tpu.memory_space<vmem>> -> memref<1x40x128xf32, #tpu.memory_space<vmem>>
        %dma_wait3A_551 = tpu.memref_squeeze %dma_wait3A_550 : memref<1x40x128xf32, #tpu.memory_space<vmem>> -> memref<40x128xf32, #tpu.memory_space<vmem>>
        %dma_wait3A_552 = arith.constant 0 : i32
        %dma_wait3A_553 = tpu.memref_slice %arg6[%dma_wait3A_546, %dma_wait3A_552] : memref<5x40xi32, #tpu.memory_space<vmem>> -> memref<1x40xi32, #tpu.memory_space<vmem>>
        %dma_wait3A_554 = tpu.memref_squeeze %dma_wait3A_553 : memref<1x40xi32, #tpu.memory_space<vmem>> -> memref<40xi32, #tpu.memory_space<vmem>>
        %dma_wait3A_555 = arith.constant 0 : i32
        %dma_wait3A_556 = arith.constant 0 : i32
        %dma_wait3A_557 = tpu.memref_slice %arg8[%dma_wait3A_555, %dma_wait3A_556] : memref<10112x128xf32, #tpu.memory_space<vmem_shared>> -> memref<10112x128xf32, #tpu.memory_space<vmem_shared>>
        %dma_wait3A_558 = tpu.memref_slice %arg11[%dma_wait3A_547] : memref<5x!tpu.dma_semaphore, #tpu.memory_space<semaphore_mem>> -> memref<1x!tpu.dma_semaphore, #tpu.memory_space<semaphore_mem>>
        %dma_wait3A_559 = tpu.memref_squeeze %dma_wait3A_558 : memref<1x!tpu.dma_semaphore, #tpu.memory_space<semaphore_mem>> -> memref<!tpu.dma_semaphore, #tpu.memory_space<semaphore_mem>>
        tpu.wait_indirect_dma semaphore(%dma_wait3A_559 : memref<!tpu.dma_semaphore, #tpu.memory_space<semaphore_mem>>) src(%dma_wait3A_551 : memref<40x128xf32, #tpu.memory_space<vmem>>) dst(%dma_wait3A_557 : memref<10112x128xf32, #tpu.memory_space<vmem_shared>>)
      } else {
      }
      %lt3A_539 = arith.constant 250 : i32
      %lt3A_540 = arith.cmpi slt, %add3A_530, %lt3A_539 : i32
      %convert_element_type3A_541 = arith.extui %lt3A_540 : i1 to i32
      %cond3A_542 = arith.constant 0 : i32
      %cond3A_543 = arith.cmpi ne, %convert_element_type3A_541, %cond3A_542 : i32
      scf.if %cond3A_543 {
        %add3A_544 = arith.constant 0 : i32
        %add3A_545 = arith.addi %add3A_544, %mul3A_9 : i32
        %mul3A_546 = arith.constant 40 : i32
        %mul3A_547 = arith.muli %add3A_530, %mul3A_546 : i32
        %add3A_548 = arith.addi %add3A_545, %mul3A_547 : i32
        %mul3A_549 = arith.constant 40 : i32
        %mul3A_550 = arith.muli %add3A_530, %mul3A_549 : i32
        %add3A_551 = arith.addi %mul3A_9, %mul3A_550 : i32
        %dma_start3A_552 = arith.constant 2 : i32
        %dma_start3A_553 = arith.constant 2 : i32
        %dma_start3A_554 = arith.constant 0 : i32
        %dma_start3A_555 = tpu.memref_slice %arg6[%dma_start3A_552, %dma_start3A_554] : memref<5x40xi32, #tpu.memory_space<vmem>> -> memref<1x40xi32, #tpu.memory_space<vmem>>
        %dma_start3A_556 = tpu.memref_squeeze %dma_start3A_555 : memref<1x40xi32, #tpu.memory_space<vmem>> -> memref<40xi32, #tpu.memory_space<vmem>>
        %dma_start3A_557 = tpu.memref_slice %arg3[%add3A_548] : memref<320000xi32, #tpu.memory_space<hbm>> -> memref<40xi32, #tpu.memory_space<hbm>>
        %dma_start3A_558 = tpu.memref_slice %arg9[%dma_start3A_553] : memref<5x!tpu.dma_semaphore, #tpu.memory_space<semaphore_mem>> -> memref<1x!tpu.dma_semaphore, #tpu.memory_space<semaphore_mem>>
        %dma_start3A_559 = tpu.memref_squeeze %dma_start3A_558 : memref<1x!tpu.dma_semaphore, #tpu.memory_space<semaphore_mem>> -> memref<!tpu.dma_semaphore, #tpu.memory_space<semaphore_mem>>
        %dma_start3A_560 = arith.constant 0 : i32
        %dma_start3A_561 = tpu.memref_slice %arg6[%dma_start3A_552, %dma_start3A_560] : memref<5x40xi32, #tpu.memory_space<vmem>> -> memref<1x40xi32, #tpu.memory_space<vmem>>
        %dma_start3A_562 = tpu.memref_squeeze %dma_start3A_561 : memref<1x40xi32, #tpu.memory_space<vmem>> -> memref<40xi32, #tpu.memory_space<vmem>>
        %dma_start3A_563 = tpu.memref_slice %arg3[%add3A_548] : memref<320000xi32, #tpu.memory_space<hbm>> -> memref<40xi32, #tpu.memory_space<hbm>>
        tpu.enqueue_dma source(%dma_start3A_563 : memref<40xi32, #tpu.memory_space<hbm>>) target(%dma_start3A_562 : memref<40xi32, #tpu.memory_space<vmem>>) target_semaphore(%dma_start3A_559 : memref<!tpu.dma_semaphore, #tpu.memory_space<semaphore_mem>>)
        %dma_start3A_564 = arith.constant 2 : i32
        %dma_start3A_565 = arith.constant 2 : i32
        %dma_start3A_566 = arith.constant 0 : i32
        %dma_start3A_567 = arith.constant 0 : i32
        %dma_start3A_568 = tpu.memref_slice %arg7[%dma_start3A_564, %dma_start3A_566, %dma_start3A_567] : memref<5x40x128xf32, #tpu.memory_space<vmem>> -> memref<1x40x128xf32, #tpu.memory_space<vmem>>
        %dma_start3A_569 = tpu.memref_squeeze %dma_start3A_568 : memref<1x40x128xf32, #tpu.memory_space<vmem>> -> memref<40x128xf32, #tpu.memory_space<vmem>>
        %dma_start3A_570 = arith.constant 0 : i32
        %dma_start3A_571 = tpu.memref_slice %arg2[%add3A_551, %dma_start3A_570] : memref<320000x128xf32, #tpu.memory_space<hbm>> -> memref<40x128xf32, #tpu.memory_space<hbm>>
        %dma_start3A_572 = tpu.memref_slice %arg10[%dma_start3A_565] : memref<5x!tpu.dma_semaphore, #tpu.memory_space<semaphore_mem>> -> memref<1x!tpu.dma_semaphore, #tpu.memory_space<semaphore_mem>>
        %dma_start3A_573 = tpu.memref_squeeze %dma_start3A_572 : memref<1x!tpu.dma_semaphore, #tpu.memory_space<semaphore_mem>> -> memref<!tpu.dma_semaphore, #tpu.memory_space<semaphore_mem>>
        %dma_start3A_574 = arith.constant 0 : i32
        %dma_start3A_575 = arith.constant 0 : i32
        %dma_start3A_576 = tpu.memref_slice %arg7[%dma_start3A_564, %dma_start3A_574, %dma_start3A_575] : memref<5x40x128xf32, #tpu.memory_space<vmem>> -> memref<1x40x128xf32, #tpu.memory_space<vmem>>
        %dma_start3A_577 = tpu.memref_squeeze %dma_start3A_576 : memref<1x40x128xf32, #tpu.memory_space<vmem>> -> memref<40x128xf32, #tpu.memory_space<vmem>>
        %dma_start3A_578 = arith.constant 0 : i32
        %dma_start3A_579 = tpu.memref_slice %arg2[%add3A_551, %dma_start3A_578] : memref<320000x128xf32, #tpu.memory_space<hbm>> -> memref<40x128xf32, #tpu.memory_space<hbm>>
        tpu.enqueue_dma source(%dma_start3A_579 : memref<40x128xf32, #tpu.memory_space<hbm>>) target(%dma_start3A_577 : memref<40x128xf32, #tpu.memory_space<vmem>>) target_semaphore(%dma_start3A_573 : memref<!tpu.dma_semaphore, #tpu.memory_space<semaphore_mem>>)
      } else {
      }
    }
    %scan3A_115 = arith.constant 50 : i32
    %dma_wait3A = arith.constant 0 : i32
    %dma_wait3A_116 = arith.constant 0 : i32
    %dma_wait3A_117 = arith.constant 0 : i32
    %dma_wait3A_118 = arith.constant 0 : i32
    %dma_wait3A_119 = arith.constant 0 : i32
    %dma_wait3A_120 = tpu.memref_slice %arg7[%dma_wait3A, %dma_wait3A_118, %dma_wait3A_119] : memref<5x40x128xf32, #tpu.memory_space<vmem>> -> memref<1x40x128xf32, #tpu.memory_space<vmem>>
    %dma_wait3A_121 = tpu.memref_squeeze %dma_wait3A_120 : memref<1x40x128xf32, #tpu.memory_space<vmem>> -> memref<40x128xf32, #tpu.memory_space<vmem>>
    %dma_wait3A_122 = arith.constant 0 : i32
    %dma_wait3A_123 = tpu.memref_slice %arg6[%dma_wait3A_116, %dma_wait3A_122] : memref<5x40xi32, #tpu.memory_space<vmem>> -> memref<1x40xi32, #tpu.memory_space<vmem>>
    %dma_wait3A_124 = tpu.memref_squeeze %dma_wait3A_123 : memref<1x40xi32, #tpu.memory_space<vmem>> -> memref<40xi32, #tpu.memory_space<vmem>>
    %dma_wait3A_125 = arith.constant 0 : i32
    %dma_wait3A_126 = arith.constant 0 : i32
    %dma_wait3A_127 = tpu.memref_slice %arg8[%dma_wait3A_125, %dma_wait3A_126] : memref<10112x128xf32, #tpu.memory_space<vmem_shared>> -> memref<10112x128xf32, #tpu.memory_space<vmem_shared>>
    %dma_wait3A_128 = tpu.memref_slice %arg11[%dma_wait3A_117] : memref<5x!tpu.dma_semaphore, #tpu.memory_space<semaphore_mem>> -> memref<1x!tpu.dma_semaphore, #tpu.memory_space<semaphore_mem>>
    %dma_wait3A_129 = tpu.memref_squeeze %dma_wait3A_128 : memref<1x!tpu.dma_semaphore, #tpu.memory_space<semaphore_mem>> -> memref<!tpu.dma_semaphore, #tpu.memory_space<semaphore_mem>>
    tpu.wait_indirect_dma semaphore(%dma_wait3A_129 : memref<!tpu.dma_semaphore, #tpu.memory_space<semaphore_mem>>) src(%dma_wait3A_121 : memref<40x128xf32, #tpu.memory_space<vmem>>) dst(%dma_wait3A_127 : memref<10112x128xf32, #tpu.memory_space<vmem_shared>>)
    %dma_wait3A_130 = arith.constant 1 : i32
    %dma_wait3A_131 = arith.constant 1 : i32
    %dma_wait3A_132 = arith.constant 1 : i32
    %dma_wait3A_133 = arith.constant 0 : i32
    %dma_wait3A_134 = arith.constant 0 : i32
    %dma_wait3A_135 = tpu.memref_slice %arg7[%dma_wait3A_130, %dma_wait3A_133, %dma_wait3A_134] : memref<5x40x128xf32, #tpu.memory_space<vmem>> -> memref<1x40x128xf32, #tpu.memory_space<vmem>>
    %dma_wait3A_136 = tpu.memref_squeeze %dma_wait3A_135 : memref<1x40x128xf32, #tpu.memory_space<vmem>> -> memref<40x128xf32, #tpu.memory_space<vmem>>
    %dma_wait3A_137 = arith.constant 0 : i32
    %dma_wait3A_138 = tpu.memref_slice %arg6[%dma_wait3A_131, %dma_wait3A_137] : memref<5x40xi32, #tpu.memory_space<vmem>> -> memref<1x40xi32, #tpu.memory_space<vmem>>
    %dma_wait3A_139 = tpu.memref_squeeze %dma_wait3A_138 : memref<1x40xi32, #tpu.memory_space<vmem>> -> memref<40xi32, #tpu.memory_space<vmem>>
    %dma_wait3A_140 = arith.constant 0 : i32
    %dma_wait3A_141 = arith.constant 0 : i32
    %dma_wait3A_142 = tpu.memref_slice %arg8[%dma_wait3A_140, %dma_wait3A_141] : memref<10112x128xf32, #tpu.memory_space<vmem_shared>> -> memref<10112x128xf32, #tpu.memory_space<vmem_shared>>
    %dma_wait3A_143 = tpu.memref_slice %arg11[%dma_wait3A_132] : memref<5x!tpu.dma_semaphore, #tpu.memory_space<semaphore_mem>> -> memref<1x!tpu.dma_semaphore, #tpu.memory_space<semaphore_mem>>
    %dma_wait3A_144 = tpu.memref_squeeze %dma_wait3A_143 : memref<1x!tpu.dma_semaphore, #tpu.memory_space<semaphore_mem>> -> memref<!tpu.dma_semaphore, #tpu.memory_space<semaphore_mem>>
    tpu.wait_indirect_dma semaphore(%dma_wait3A_144 : memref<!tpu.dma_semaphore, #tpu.memory_space<semaphore_mem>>) src(%dma_wait3A_136 : memref<40x128xf32, #tpu.memory_space<vmem>>) dst(%dma_wait3A_142 : memref<10112x128xf32, #tpu.memory_space<vmem_shared>>)
    %dma_wait3A_145 = arith.constant 2 : i32
    %dma_wait3A_146 = arith.constant 2 : i32
    %dma_wait3A_147 = arith.constant 2 : i32
    %dma_wait3A_148 = arith.constant 0 : i32
    %dma_wait3A_149 = arith.constant 0 : i32
    %dma_wait3A_150 = tpu.memref_slice %arg7[%dma_wait3A_145, %dma_wait3A_148, %dma_wait3A_149] : memref<5x40x128xf32, #tpu.memory_space<vmem>> -> memref<1x40x128xf32, #tpu.memory_space<vmem>>
    %dma_wait3A_151 = tpu.memref_squeeze %dma_wait3A_150 : memref<1x40x128xf32, #tpu.memory_space<vmem>> -> memref<40x128xf32, #tpu.memory_space<vmem>>
    %dma_wait3A_152 = arith.constant 0 : i32
    %dma_wait3A_153 = tpu.memref_slice %arg6[%dma_wait3A_146, %dma_wait3A_152] : memref<5x40xi32, #tpu.memory_space<vmem>> -> memref<1x40xi32, #tpu.memory_space<vmem>>
    %dma_wait3A_154 = tpu.memref_squeeze %dma_wait3A_153 : memref<1x40xi32, #tpu.memory_space<vmem>> -> memref<40xi32, #tpu.memory_space<vmem>>
    %dma_wait3A_155 = arith.constant 0 : i32
    %dma_wait3A_156 = arith.constant 0 : i32
    %dma_wait3A_157 = tpu.memref_slice %arg8[%dma_wait3A_155, %dma_wait3A_156] : memref<10112x128xf32, #tpu.memory_space<vmem_shared>> -> memref<10112x128xf32, #tpu.memory_space<vmem_shared>>
    %dma_wait3A_158 = tpu.memref_slice %arg11[%dma_wait3A_147] : memref<5x!tpu.dma_semaphore, #tpu.memory_space<semaphore_mem>> -> memref<1x!tpu.dma_semaphore, #tpu.memory_space<semaphore_mem>>
    %dma_wait3A_159 = tpu.memref_squeeze %dma_wait3A_158 : memref<1x!tpu.dma_semaphore, #tpu.memory_space<semaphore_mem>> -> memref<!tpu.dma_semaphore, #tpu.memory_space<semaphore_mem>>
    tpu.wait_indirect_dma semaphore(%dma_wait3A_159 : memref<!tpu.dma_semaphore, #tpu.memory_space<semaphore_mem>>) src(%dma_wait3A_151 : memref<40x128xf32, #tpu.memory_space<vmem>>) dst(%dma_wait3A_157 : memref<10112x128xf32, #tpu.memory_space<vmem_shared>>)
    %dma_wait3A_160 = arith.constant 3 : i32
    %dma_wait3A_161 = arith.constant 3 : i32
    %dma_wait3A_162 = arith.constant 3 : i32
    %dma_wait3A_163 = arith.constant 0 : i32
    %dma_wait3A_164 = arith.constant 0 : i32
    %dma_wait3A_165 = tpu.memref_slice %arg7[%dma_wait3A_160, %dma_wait3A_163, %dma_wait3A_164] : memref<5x40x128xf32, #tpu.memory_space<vmem>> -> memref<1x40x128xf32, #tpu.memory_space<vmem>>
    %dma_wait3A_166 = tpu.memref_squeeze %dma_wait3A_165 : memref<1x40x128xf32, #tpu.memory_space<vmem>> -> memref<40x128xf32, #tpu.memory_space<vmem>>
    %dma_wait3A_167 = arith.constant 0 : i32
    %dma_wait3A_168 = tpu.memref_slice %arg6[%dma_wait3A_161, %dma_wait3A_167] : memref<5x40xi32, #tpu.memory_space<vmem>> -> memref<1x40xi32, #tpu.memory_space<vmem>>
    %dma_wait3A_169 = tpu.memref_squeeze %dma_wait3A_168 : memref<1x40xi32, #tpu.memory_space<vmem>> -> memref<40xi32, #tpu.memory_space<vmem>>
    %dma_wait3A_170 = arith.constant 0 : i32
    %dma_wait3A_171 = arith.constant 0 : i32
    %dma_wait3A_172 = tpu.memref_slice %arg8[%dma_wait3A_170, %dma_wait3A_171] : memref<10112x128xf32, #tpu.memory_space<vmem_shared>> -> memref<10112x128xf32, #tpu.memory_space<vmem_shared>>
    %dma_wait3A_173 = tpu.memref_slice %arg11[%dma_wait3A_162] : memref<5x!tpu.dma_semaphore, #tpu.memory_space<semaphore_mem>> -> memref<1x!tpu.dma_semaphore, #tpu.memory_space<semaphore_mem>>
    %dma_wait3A_174 = tpu.memref_squeeze %dma_wait3A_173 : memref<1x!tpu.dma_semaphore, #tpu.memory_space<semaphore_mem>> -> memref<!tpu.dma_semaphore, #tpu.memory_space<semaphore_mem>>
    tpu.wait_indirect_dma semaphore(%dma_wait3A_174 : memref<!tpu.dma_semaphore, #tpu.memory_space<semaphore_mem>>) src(%dma_wait3A_166 : memref<40x128xf32, #tpu.memory_space<vmem>>) dst(%dma_wait3A_172 : memref<10112x128xf32, #tpu.memory_space<vmem_shared>>)
    %dma_wait3A_175 = arith.constant 4 : i32
    %dma_wait3A_176 = arith.constant 4 : i32
    %dma_wait3A_177 = arith.constant 4 : i32
    %dma_wait3A_178 = arith.constant 0 : i32
    %dma_wait3A_179 = arith.constant 0 : i32
    %dma_wait3A_180 = tpu.memref_slice %arg7[%dma_wait3A_175, %dma_wait3A_178, %dma_wait3A_179] : memref<5x40x128xf32, #tpu.memory_space<vmem>> -> memref<1x40x128xf32, #tpu.memory_space<vmem>>
    %dma_wait3A_181 = tpu.memref_squeeze %dma_wait3A_180 : memref<1x40x128xf32, #tpu.memory_space<vmem>> -> memref<40x128xf32, #tpu.memory_space<vmem>>
    %dma_wait3A_182 = arith.constant 0 : i32
    %dma_wait3A_183 = tpu.memref_slice %arg6[%dma_wait3A_176, %dma_wait3A_182] : memref<5x40xi32, #tpu.memory_space<vmem>> -> memref<1x40xi32, #tpu.memory_space<vmem>>
    %dma_wait3A_184 = tpu.memref_squeeze %dma_wait3A_183 : memref<1x40xi32, #tpu.memory_space<vmem>> -> memref<40xi32, #tpu.memory_space<vmem>>
    %dma_wait3A_185 = arith.constant 0 : i32
    %dma_wait3A_186 = arith.constant 0 : i32
    %dma_wait3A_187 = tpu.memref_slice %arg8[%dma_wait3A_185, %dma_wait3A_186] : memref<10112x128xf32, #tpu.memory_space<vmem_shared>> -> memref<10112x128xf32, #tpu.memory_space<vmem_shared>>
    %dma_wait3A_188 = tpu.memref_slice %arg11[%dma_wait3A_177] : memref<5x!tpu.dma_semaphore, #tpu.memory_space<semaphore_mem>> -> memref<1x!tpu.dma_semaphore, #tpu.memory_space<semaphore_mem>>
    %dma_wait3A_189 = tpu.memref_squeeze %dma_wait3A_188 : memref<1x!tpu.dma_semaphore, #tpu.memory_space<semaphore_mem>> -> memref<!tpu.dma_semaphore, #tpu.memory_space<semaphore_mem>>
    tpu.wait_indirect_dma semaphore(%dma_wait3A_189 : memref<!tpu.dma_semaphore, #tpu.memory_space<semaphore_mem>>) src(%dma_wait3A_181 : memref<40x128xf32, #tpu.memory_space<vmem>>) dst(%dma_wait3A_187 : memref<10112x128xf32, #tpu.memory_space<vmem_shared>>)
    %barrier3A_190 = arith.constant 0 : index
    tpu.barrier barrier_id(%barrier3A_190)
    %mul3A_191 = arith.constant 10112 : i32
    %mul3A_192 = arith.muli %arg0, %mul3A_191 : i32
    %mul3A_193 = arith.constant 632 : i32
    %mul3A_194 = arith.muli %arg1, %mul3A_193 : i32
    %add3A_195 = arith.addi %mul3A_192, %mul3A_194 : i32
    %mul3A_196 = arith.constant 632 : i32
    %mul3A_197 = arith.muli %arg1, %mul3A_196 : i32
    "tpu.region"() ({
      %run_scoped3A = tpu.sem_alloc : memref<!tpu.dma_semaphore, #tpu.memory_space<semaphore_mem>>
      %dma_start3A_198 = arith.constant 0 : i32
      %dma_start3A_199 = tpu.memref_slice %arg5[%add3A_195, %dma_start3A_198] : memref<20224x128xf32, #tpu.memory_space<hbm>> -> memref<632x128xf32, #tpu.memory_space<hbm>>
      %dma_start3A_200 = arith.constant 0 : i32
      %dma_start3A_201 = tpu.memref_slice %arg8[%mul3A_197, %dma_start3A_200] : memref<10112x128xf32, #tpu.memory_space<vmem_shared>> -> memref<632x128xf32, #tpu.memory_space<vmem_shared>>
      tpu.enqueue_dma source(%dma_start3A_201 : memref<632x128xf32, #tpu.memory_space<vmem_shared>>) target(%dma_start3A_199 : memref<632x128xf32, #tpu.memory_space<hbm>>) target_semaphore(%run_scoped3A : memref<!tpu.dma_semaphore, #tpu.memory_space<semaphore_mem>>)
      %dma_wait3A_202 = arith.constant 0 : i32
      %dma_wait3A_203 = tpu.memref_slice %arg5[%add3A_195, %dma_wait3A_202] : memref<20224x128xf32, #tpu.memory_space<hbm>> -> memref<632x128xf32, #tpu.memory_space<hbm>>
      %dma_wait3A_204 = arith.constant 0 : i32
      %dma_wait3A_205 = tpu.memref_slice %arg8[%mul3A_197, %dma_wait3A_204] : memref<10112x128xf32, #tpu.memory_space<vmem_shared>> -> memref<632x128xf32, #tpu.memory_space<vmem_shared>>
      tpu.wait_dma2 semaphore(%run_scoped3A : memref<!tpu.dma_semaphore, #tpu.memory_space<semaphore_mem>>) src(%dma_wait3A_205 : memref<632x128xf32, #tpu.memory_space<vmem_shared>>) dst(%dma_wait3A_203 : memref<632x128xf32, #tpu.memory_space<hbm>>)
      tpu.yield
    }) : () -> ()
    return
  }
}

module attributes {stable_mosaic.version = 14 : i64} {
  func.func @_mlp1_body(%arg0: i32, %arg1: memref<16000x128xf32, #tpu.memory_space<vmem>>, %arg2: memref<128x256xf32, #tpu.memory_space<vmem>>, %arg3: memref<1x256xf32, #tpu.memory_space<vmem>>, %arg4: memref<16000x128xf32, #tpu.memory_space<vmem>>) attributes {dimension_semantics = [#tpu.dimension_semantics<arbitrary>], iteration_bounds = array<i64: 20>, scalar_prefetch = 0 : i64, scratch_operands = 0 : i64, tpu.core_type = #tpu.core_type<tc>, window_params = [{transform_indices = @transform_0, window_bounds = array<i64: 16000, 128>}, {pipeline_mode = #tpu.pipeline_mode<synchronous>, transform_indices = @transform_1, window_bounds = array<i64: 128, 256>}, {pipeline_mode = #tpu.pipeline_mode<synchronous>, transform_indices = @transform_2, window_bounds = array<i64: 1, 256>}, {transform_indices = @transform_3, window_bounds = array<i64: 16000, 128>}]} {
    %get3A = arith.constant 0 : index
    %get3A_0 = arith.constant 0 : index
    %get3A_1 = vector.load %arg1[%get3A, %get3A_0] : memref<16000x128xf32, #tpu.memory_space<vmem>>, vector<16000x128xf32>
    %get3A_2 = arith.constant 0 : index
    %get3A_3 = arith.constant 0 : index
    %get3A_4 = vector.load %arg2[%get3A_2, %get3A_3] : memref<128x256xf32, #tpu.memory_space<vmem>>, vector<128x256xf32>
    %dot_general3A = arith.constant dense<0.000000e+00> : vector<16000x256xf32>
    %dot_general3A_5 = tpu.matmul %get3A_1, %get3A_4, %dot_general3A {dimension_numbers = #tpu.dot_dimension_numbers<[1], [0], [0], [1], [0, 0, 1, 1], [], []>, transpose_lhs_hint = false} : vector<16000x128xf32>, vector<128x256xf32>, vector<16000x256xf32> -> vector<16000x256xf32>
    %get3A_6 = arith.constant 0 : index
    %get3A_7 = arith.constant 0 : index
    %get3A_8 = vector.load %arg3[%get3A_6, %get3A_7] : memref<1x256xf32, #tpu.memory_space<vmem>>, vector<1x256xf32>
    %add3A = vector.broadcast %get3A_8 : vector<1x256xf32> to vector<16000x256xf32>
    %add3A_9 = arith.addf %dot_general3A_5, %add3A : vector<16000x256xf32>
    %slice3A = vector.extract_strided_slice %add3A_9 {offsets = [0, 0], sizes = [16000, 128], strides = [1, 1]} : vector<16000x256xf32> to vector<16000x128xf32>
    %logistic3A = arith.negf %slice3A : vector<16000x128xf32>
    %logistic3A_10 = math.exp %logistic3A : vector<16000x128xf32>
    %logistic3A_11 = arith.constant 1.000000e+00 : f32
    %logistic3A_12 = vector.broadcast %logistic3A_11 : f32 to vector<16000x128xf32>
    %logistic3A_13 = arith.addf %logistic3A_12, %logistic3A_10 : vector<16000x128xf32>
    %logistic3A_14 = arith.divf %logistic3A_12, %logistic3A_13 : vector<16000x128xf32>
    %slice3A_15 = vector.extract_strided_slice %add3A_9 {offsets = [0, 128], sizes = [16000, 128], strides = [1, 1]} : vector<16000x256xf32> to vector<16000x128xf32>
    %mul3A = arith.mulf %logistic3A_14, %slice3A_15 : vector<16000x128xf32>
    %swap3A = arith.constant 0 : index
    %swap3A_16 = arith.constant 0 : index
    %swap3A_17 = vector.load %arg4[%swap3A, %swap3A_16] : memref<16000x128xf32, #tpu.memory_space<vmem>>, vector<16000x128xf32>
    tpu.vector_store %arg4[%swap3A, %swap3A_16], %mul3A {strides = array<i32>} : memref<16000x128xf32, #tpu.memory_space<vmem>>, vector<16000x128xf32>,
    return
  }
  func.func @transform_0(%arg0: i32) -> (i32, i32) {
    %add3A = arith.constant 0 : i32
    %add3A_0 = arith.addi %arg0, %add3A : i32
    %c0_i32 = arith.constant 0 : i32
    %c0_i32_1 = arith.constant 0 : i32
    return %add3A_0, %c0_i32 : i32, i32
  }
  func.func @transform_1(%arg0: i32) -> (i32, i32) {
    %c0_i32 = arith.constant 0 : i32
    %c0_i32_0 = arith.constant 0 : i32
    %c0_i32_1 = arith.constant 0 : i32
    return %c0_i32, %c0_i32_0 : i32, i32
  }
  func.func @transform_2(%arg0: i32) -> (i32, i32) {
    %c0_i32 = arith.constant 0 : i32
    %c0_i32_0 = arith.constant 0 : i32
    %c0_i32_1 = arith.constant 0 : i32
    return %c0_i32, %c0_i32_0 : i32, i32
  }
  func.func @transform_3(%arg0: i32) -> (i32, i32) {
    %c0_i32 = arith.constant 0 : i32
    %c0_i32_0 = arith.constant 0 : i32
    return %arg0, %c0_i32 : i32, i32
  }
}

module attributes {stable_mosaic.version = 14 : i64} {
  func.func @_mlp2_body(%arg0: i32, %arg1: memref<10000x128xf32, #tpu.memory_space<vmem>>, %arg2: memref<10000x128xf32, #tpu.memory_space<vmem>>, %arg3: memref<128x128xf32, #tpu.memory_space<vmem>>, %arg4: memref<1x128xf32, #tpu.memory_space<vmem>>, %arg5: memref<10000x128xf32, #tpu.memory_space<vmem>>) attributes {dimension_semantics = [#tpu.dimension_semantics<arbitrary>], iteration_bounds = array<i64: 1>, scalar_prefetch = 0 : i64, scratch_operands = 0 : i64, tpu.core_type = #tpu.core_type<tc>, window_params = [{transform_indices = @transform_0, window_bounds = array<i64: 10000, 128>}, {transform_indices = @transform_1, window_bounds = array<i64: 10000, 128>}, {pipeline_mode = #tpu.pipeline_mode<synchronous>, transform_indices = @transform_2, window_bounds = array<i64: 128, 128>}, {pipeline_mode = #tpu.pipeline_mode<synchronous>, transform_indices = @transform_3, window_bounds = array<i64: 1, 128>}, {transform_indices = @transform_4, window_bounds = array<i64: 10000, 128>}]} {
    %get3A = arith.constant 0 : index
    %get3A_0 = arith.constant 0 : index
    %get3A_1 = vector.load %arg1[%get3A, %get3A_0] : memref<10000x128xf32, #tpu.memory_space<vmem>>, vector<10000x128xf32>
    %get3A_2 = arith.constant 0 : index
    %get3A_3 = arith.constant 0 : index
    %get3A_4 = vector.load %arg2[%get3A_2, %get3A_3] : memref<10000x128xf32, #tpu.memory_space<vmem>>, vector<10000x128xf32>
    %add3A = arith.addf %get3A_1, %get3A_4 : vector<10000x128xf32>
    %get3A_5 = arith.constant 0 : index
    %get3A_6 = arith.constant 0 : index
    %get3A_7 = vector.load %arg3[%get3A_5, %get3A_6] : memref<128x128xf32, #tpu.memory_space<vmem>>, vector<128x128xf32>
    %dot_general3A = arith.constant dense<0.000000e+00> : vector<10000x128xf32>
    %dot_general3A_8 = tpu.matmul %add3A, %get3A_7, %dot_general3A {dimension_numbers = #tpu.dot_dimension_numbers<[1], [0], [0], [1], [0, 0, 1, 1], [], []>, transpose_lhs_hint = false} : vector<10000x128xf32>, vector<128x128xf32>, vector<10000x128xf32> -> vector<10000x128xf32>
    %get3A_9 = arith.constant 0 : index
    %get3A_10 = arith.constant 0 : index
    %get3A_11 = vector.load %arg4[%get3A_9, %get3A_10] : memref<1x128xf32, #tpu.memory_space<vmem>>, vector<1x128xf32>
    %add3A_12 = vector.broadcast %get3A_11 : vector<1x128xf32> to vector<10000x128xf32>
    %add3A_13 = arith.addf %dot_general3A_8, %add3A_12 : vector<10000x128xf32>
    %swap3A = arith.constant 0 : index
    %swap3A_14 = arith.constant 0 : index
    %swap3A_15 = vector.load %arg5[%swap3A, %swap3A_14] : memref<10000x128xf32, #tpu.memory_space<vmem>>, vector<10000x128xf32>
    tpu.vector_store %arg5[%swap3A, %swap3A_14], %add3A_13 {strides = array<i32>} : memref<10000x128xf32, #tpu.memory_space<vmem>>, vector<10000x128xf32>,
    return
  }
  func.func @transform_0(%arg0: i32) -> (i32, i32) {
    %c0_i32 = arith.constant 0 : i32
    %c0_i32_0 = arith.constant 0 : i32
    return %arg0, %c0_i32 : i32, i32
  }
  func.func @transform_1(%arg0: i32) -> (i32, i32) {
    %c0_i32 = arith.constant 0 : i32
    %c0_i32_0 = arith.constant 0 : i32
    return %arg0, %c0_i32 : i32, i32
  }
  func.func @transform_2(%arg0: i32) -> (i32, i32) {
    %c0_i32 = arith.constant 0 : i32
    %c0_i32_0 = arith.constant 0 : i32
    %c0_i32_1 = arith.constant 0 : i32
    return %c0_i32, %c0_i32_0 : i32, i32
  }
  func.func @transform_3(%arg0: i32) -> (i32, i32) {
    %c0_i32 = arith.constant 0 : i32
    %c0_i32_0 = arith.constant 0 : i32
    %c0_i32_1 = arith.constant 0 : i32
    return %c0_i32, %c0_i32_0 : i32, i32
  }
  func.func @transform_4(%arg0: i32) -> (i32, i32) {
    %c0_i32 = arith.constant 0 : i32
    %c0_i32_0 = arith.constant 0 : i32
    return %arg0, %c0_i32 : i32, i32
  }
}

</mosaic_0001>

<sc_bundles>
// kernel: kernel.5.cloned.1.call-start
scs
__scs_entry_jumppad:
0x0: {  	(pc) =	sbr.rel $0x88, $3  }
0x1: {  	(tag) =	ssettag $0x0;
	lr =	simm.s32 $0x1  }
0x2: {  	[smem:$0x3F9A] =	sst lr;
	_ =	strace $0xD0000000  }
0x3: {  	_ = 	snop  }
0x4: {  	_ = 	snop  }
0x5: {  	_ = 	snop  }
0x6: {  	_ = 	snop  }
0x7: {  	_ = 	snop  }
__scs_overlays_trampoline_lowered:
0x8: {  	[smem:$0x3FA9] =	sst s0  }
0x9: {  	[smem:$0x3FAA] =	sst s1  }
0xa: {  	[smem:$0x3FAB] =	sst s2  }
0xb: {  	[smem:$0x3FAC] =	sst s3  }
0xc: {  	[smem:$0x3FAD] =	sst s4  }
0xd: {  	[smem:$0x3FAE] =	sst s5  }
0xe: {  	[smem:$0x3FAF] =	sst s6  }
0xf: {  	[smem:$0x3FB0] =	sst s7  }
0x10: {  	[smem:$0x3FB1] =	sst s8  }
0x11: {  	[smem:$0x3FB2] =	sst s9;
	s0 =	simm.s32 @!p0 $0x0  }
0x12: {  	s1 =	sld [smem:$0x3F98];
	s0 =	simm.s32 @p0 $0x1  }
0x13: {  	[smem:$0x3FB3] =	sst s0;
	s0 =	simm.s32 @!p1 $0x0  }
0x14: {  	s2 =	sld [smem:$0x3F97];
	s0 =	simm.s32 @p1 $0x1  }
0x15: {  	[smem:$0x3FB4] =	sst s0;
	s0 =	simm.s32 @!p2 $0x0  }
0x16: {  	s3 =	sld [smem:$0x3FDB];
	s0 =	simm.s32 @p2 $0x1  }
0x17: {  	s4 =	simm.s32 $0x1BF5;
	[smem:$0x3FB6] =	sst s0  }
0x18: {  	s0 =	sld [smem:$0x3F99];
	_ =	swait.ge [sflag:s4], $0x0  }
0x19: {  	s7 =	sld [smem:$0x3F9A]  }
0x1a: {  	s8 =	sadd.s32 $0xFFFFE003, lr  }
0x1b: {  	s9 =	sadd.s32 $0xFFFFFEF7, lr;
	s5 =	simm.s32 $0xFFFFFFFF;
	p2 =	slt.u32 s8, $0xFFFFF086  }
0x1c: {  	p1 =	slt.u32 s9, $0xF7A;
	s5 =	simm.s32 @!p2 $0x0  }
0x1d: {  	s5 =	simm.s32 @p1 $0x1;
	p0 =	seq.s32 s7, s2  }
0x1e: {  	s7 =	smul.u32 @!p0 $0xF7A, s2;
	p2 =	seq.s32 @!p0 s5, $0x0  }
0x1f: {  	s9 =	smul.u32 $0xF7A, s1;
	s8 =	simm.s32 @!p0 $0x1BF5;
	p2 =	por !p2, p0  }
0x20: {  	[sflag:s8] =	ssyncset.s32 @!p0 $0xFFFFF086;
	s6 =	sadd.s32 @!p0 s3, s7;
	s7 =	simm.s32 @!p0 $0x108  }
0x21: {  	s3 =	sadd.s32 s3, s9;
	s6 =	sadd.s32 @!p0 $0x88, s6;
	s7 =	simm.s32 @p2 $0x1082  }
0x22: {  	[simem:s7], [sflag:s8] =	dma.local @!p0 [hbm:s6], $0xF7A  }
0x23: {  	s9 =	sor.u32 $0xD0000000, s2;
	s6 =	simm.s32 $0x108;
	_ =	swait.ge @!p0 [sflag:s8], $0x0  }
0x24: {  	s3 =	sadd.s32 $0x88, s3;
	s6 =	simm.s32 @!p1 $0x1082;
	[sflag:s4] =	ssyncset.s32 $0xFFFFF086  }
0x25: {  	[simem:s6], [sflag:s4] =	dma.local [hbm:s3], $0xF7A  }
0x26: {  	[smem:$0x3F9A] =	sst s1;
	(tag) =	ssettag s2;
	_ =	strace s9  }
0x27: {  	s1 =	sld [smem:$0x3FAA]  }
0x28: {  	s2 =	sld [smem:$0x3FAB]  }
0x29: {  	s4 =	sld [smem:$0x3FAD]  }
0x2a: {  	p0 =	seq.s32 s5, $0x0;
	s5 =	sld [smem:$0x3FAE]  }
0x2b: {  	s6 =	sld [smem:$0x3FAF]  }
0x2c: {  	s7 =	sld [smem:$0x3FB0]  }
0x2d: {  	s3 =	simm.s32 $0x108;
	s8 =	sld [smem:$0x3FB1]  }
0x2e: {  	s3 =	simm.s32 @!p0 $0x1082;
	s9 =	sld [smem:$0x3FB2]  }
0x2f: {  	lr =	sadd.s32 s0, s3;
	s0 =	sld [smem:$0x3FA9]  }
0x30: {  	s3 =	sld [smem:$0x3FAC]  }
0x31: {  	[smem:$0x3FB5] =	sst s10  }
0x32: {  	s10 =	sld [smem:$0x3FB3];
	_ =	sdelay $0x3  }
0x33: {  	p0 =	seq.s32 s10, $0x1;
	s10 =	sld [smem:$0x3FB5];
	_ =	sdelay $0x3  }
0x34: {  	[smem:$0x3FB5] =	sst s10  }
0x35: {  	s10 =	sld [smem:$0x3FB4];
	_ =	sdelay $0x3  }
0x36: {  	p1 =	seq.s32 s10, $0x1;
	s10 =	sld [smem:$0x3FB5];
	_ =	sdelay $0x3  }
0x37: {  	[smem:$0x3FB5] =	sst s10  }
0x38: {  	s10 =	sld [smem:$0x3FB6]  }
0x39: {  	_ = 	snop;
	(pc) =	sbr.ind lr, $3  }
0x3a: {  	_ = 	snop  }
0x3b: {  	_ = 	snop  }
0x3c: {  	p2 =	seq.s32 s10, $0x1;
	s10 =	sld [smem:$0x3FB5]  }
0x3d: {  	_ =	shalt  }
0x3e: {  	_ =	shalt  }
0x3f: {  	_ =	shalt  }
0x40: {  	_ =	shalt  }
0x41: {  	_ =	shalt  }
0x42: {  	_ =	shalt  }
0x43: {  	_ =	shalt  }
0x44: {  	_ =	shalt  }
0x45: {  	_ =	shalt  }
0x46: {  	_ =	shalt  }
0x47: {  	_ =	shalt  }
0x48: {  	_ =	shalt  }
0x49: {  	_ =	shalt  }
0x4a: {  	_ =	shalt  }
0x4b: {  	_ =	shalt  }
0x4c: {  	_ =	shalt  }
0x4d: {  	_ =	shalt  }
0x4e: {  	_ =	shalt  }
0x4f: {  	_ =	shalt  }
0x50: {  	_ =	shalt  }
0x51: {  	_ =	shalt  }
0x52: {  	_ =	shalt  }
0x53: {  	_ =	shalt  }
0x54: {  	_ =	shalt  }
0x55: {  	_ =	shalt  }
0x56: {  	_ =	shalt  }
0x57: {  	_ =	shalt  }
0x58: {  	_ =	shalt  }
0x59: {  	_ =	shalt  }
0x5a: {  	_ =	shalt  }
0x5b: {  	_ =	shalt  }
0x5c: {  	_ =	shalt  }
0x5d: {  	_ =	shalt  }
0x5e: {  	_ =	shalt  }
0x5f: {  	_ =	shalt  }
0x60: {  	_ =	shalt  }
0x61: {  	_ =	shalt  }
0x62: {  	_ =	shalt  }
0x63: {  	_ =	shalt  }
0x64: {  	_ =	shalt  }
0x65: {  	_ =	shalt  }
0x66: {  	_ =	shalt  }
0x67: {  	_ =	shalt  }
0x68: {  	_ =	shalt  }
0x69: {  	_ =	shalt  }
0x6a: {  	_ =	shalt  }
0x6b: {  	_ =	shalt  }
0x6c: {  	_ =	shalt  }
0x6d: {  	_ =	shalt  }
0x6e: {  	_ =	shalt  }
0x6f: {  	_ =	shalt  }
0x70: {  	_ =	shalt  }
0x71: {  	_ =	shalt  }
0x72: {  	_ =	shalt  }
0x73: {  	_ =	shalt  }
0x74: {  	_ =	shalt  }
0x75: {  	_ =	shalt  }
0x76: {  	_ =	shalt  }
0x77: {  	_ =	shalt  }
0x78: {  	_ =	shalt  }
0x79: {  	_ =	shalt  }
0x7a: {  	_ =	shalt  }
0x7b: {  	_ =	shalt  }
0x7c: {  	_ =	shalt  }
0x7d: {  	_ =	shalt  }
0x7e: {  	_ =	shalt  }
0x7f: {  	_ =	shalt  }
0x80: {  	_ =	shalt  }
0x81: {  	_ =	shalt  }
0x82: {  	_ =	shalt  }
0x83: {  	_ =	shalt  }
0x84: {  	_ =	shalt  }
0x85: {  	_ =	shalt  }
0x86: {  	_ =	shalt  }
0x87: {  	_ =	shalt  }
.Lfunc_end0:
.L_simem_size_0:
called_computation_lowered:
.L_overlay_start_0:
0x88: {  	s2 =	sld [smem:$0x3FD9]  }
0x89: {  	s3 =	sld [smem:$0x3FFE];
	_ =	sdelay $0x1  }
0x8a: {  	s1 =	srdreg.scid  }
0x8b: {  	s0 =	sand.u32 $0x1, s1  }
0x8c: {  	s17 =	sshll.u32 s0, $0xA;
	s2 =	sadd.s32 s3, s2  }
0x8d: {  	s2 =	sadd.s32 s2, s17  }
0x8e: {  	[smem:$0x3FC1] =	sst s2  }
0x8f: {  	_ = 	snop  }
0x90: {  	s2 =	sld [smem:$0x3FD0];
	(tm) =	ssettm $0x1  }
0x91: {  	s18 =	sld [smem:$0x3FFB];
	_ =	sdelay $0x3  }
0x92: {  	_ =	strace s18  }
0x93: {  	s3 =	sld [smem:$0x3FFC];
	_ =	sdelay $0x3  }
0x94: {  	_ =	strace s3  }
0x95: {  	s3 =	sld [smem:$0x3FFD];
	_ =	sdelay $0x3  }
0x96: {  	_ =	strace s3  }
0x97: {  	_ =	strace $0x8FFFFFFF  }
0x98: {  	s19 =	sld [smem:$0x3FDB];
	_ =	sdelay $0x1  }
0x99: {  	s4 =	simm.s32 $_scs_section_size  }
0x9a: {  	s5 =	simm.s32 $_size__tile_overlayer_lowered;
	s6 =	simm.s32 $_tile_overlayer_lowered  }
0x9b: {  	s22 =	simm.s32 $0x1BFF;
	s21 =	sshll.u32 s6, $0x1;
	s3 =	sadd.s32 s4, s19  }
0x9c: {  	s7 =	simm.s32 $0x0;
	s20 =	sshll.u32 s5, $0x1;
	s5 =	sadd.s32 s21, s3  }
0x9d: {  	[timem:s7], [sflag:s22] =	dma.local [hbm:s5], s20  }
0x9e: {  	_ =	swait.ge [sflag:s22], s20  }
0x9f: {  	s4 =	ssub.s32 $0x0, s20;
	[sflag:s22] =	ssyncset.done $0x0  }
0xa0: {  	[sflag:s22] =	ssyncadd.s32 s4;
	_ =	sdelay $0x1  }
0xa1: {  	s23 =	simm.s32 $0x1B8B  }
0xa2: {  	_ =	swait.ge [sflag:s23], $0x1  }
0xa3: {  	[sflag:s23] =	ssyncset.done $0x0  }
0xa4: {  	s25 =	simm.s32 $0x1B8E;
	s24 =	sld [smem:$0x3FFE];
	[sflag:s23] =	ssyncadd.s32 $0xFFFFFFFF  }
0xa5: {  	s26 =	simm.s32 $execute0_lowered;
	[smem:$0x3FD2] =	sst s25  }
0xa6: {  	s5 =	sshll.u32 s26, $0x1;
	_ =	strace $0x80000046;
	[dreg:$0x1] =	wrdreg $0xFFFFFFFF  }
0xa7: {  	s28 =	simm.s32 $_size_execute0_lowered;
	s3 =	sadd.s32 s3, s5;
	[dreg:$0x0] =	wrdreg $0x0  }
0xa8: {  	s5 =	sshll.u32 s28, $0x1;
	[dreg:$0x2] =	wrdreg s3  }
0xa9: {  	[dreg:$0x3] =	wrdreg s5  }
0xaa: {  	[dreg:$0x4] =	wrdreg $0xC0  }
0xab: {  	_ =	task [dreg:s7], $0x5FFFF  }
0xac: {  	[dreg:$0x1] =	wrdreg $0xFFFFFFFF  }
0xad: {  	[dreg:$0x0] =	wrdreg $0x60  }
0xae: {  	[dreg:$0x2] =	wrdreg s24  }
0xaf: {  	[dreg:$0x3] =	wrdreg s2  }
0xb0: {  	[dreg:$0x4] =	wrdreg $0x68000  }
0xb1: {  	[dreg:$0x5] =	wrdreg $0x9  }
0xb2: {  	_ =	task.clear_ibuf [dreg:s7], $0x6FFFF;
	_ =	strace $0x90000046  }
0xb3: {  	s29 =	simm.s32 $0x9;
	_ =	strace $0x80000048  }
0xb4: {  	_ =	swait.ge [sflag:s29], $0x1  }
0xb5: {  	[sflag:s29] =	ssyncadd.s32 $0xFFFFFFFF  }
0xb6: {  	_ =	strace $0x90000048  }
0xb7: {  	_ =	sfence  }
0xb8: {  	s30 =	sld [smem:$0x0];
	_ =	sdelay $0x2  }
0xb9: {  	s31 =	sshll.u32 s1, $0xD;
	s1 =	sshrl.u32 s1, $0x2  }
0xba: {  	s3 =	sand.u32 $0x4000, s31;
	s1 =	sadd.s32 s1, s30  }
0xbb: {  	s0 =	sor.u32 s3, s0;
	s1 =	sshll.u32 s1, $0x11  }
0xbc: {  	s0 =	sor.u32 s1, s0  }
0xbd: {  	s0 =	sadd.s32 $0x8F2B, s0  }
0xbe: {  	[sflag:s0] =	ssyncadd.remote.s32 $0x1  }
0xbf: {  	_ =	sfence.sel $0xFFFF  }
0xc0: {  	[dreg:$0x0] =	wrdreg $0xFFFFFFFF;
	(pc) =	sbr.abs _section_cstart, $3  }
0xc1: {  	[dreg:$0x1] =	wrdreg $0xFFFFFFFF  }
0xc2: {  	_ =	task.clear_ibuf [dreg:s7], $0x2FFFF;
	_ =	strace $0x9FFFFFFF  }
0xc3: {  	(tm) =	ssettm $0x7FFFFFFF  }
tec
execute0_lowered:
.L_overlay_start_1:
0x0: {  	(tag) =	ssettag $0x1  }
0x1: {  	s0 =	rddreg [dreg:$0x0]  }
0x2: {  	s12 =	rddreg [dreg:$0x1]  }
0x3: {  	s1 =	srdreg.scid;
	s3 =	rddreg [dreg:$0x2]  }
0x4: {  	s2 =	stileid.u32;
	s4 =	simm.s32 $0x0;
	s28 =	simm.s32 $0x2C00  }
0x5: {  	s29 =	simm.s32 $0x1;
	s30 =	simm.s32 $0x6;
	s6 =	smul.u32 $0x278, s2  }
0x6: {  	s31 =	simm.s32 $0x28;
	s1 =	sand.u32 $0x1, s1;
	s8 =	smul.u32 $0x4F000, s2  }
0x7: {  	[smem:$0x7FF] =	sst s4;
	s7 =	sadd.s32 $0xE00, s0;
	s26 =	smul.u32 $0x2710, s2  }
0x8: {  	s19 =	sshll.u32 s2, $0x6;
	s5 =	smul.u32 $0x2780, s1;
	_ =	strace $0x80000047  }
0x9: {  	s16 =	sshll.u32 s1, $0x4;
	s17 =	ssub.s32 $0x2, s1;
	s14 =	sor.u32 $0x1C10, s19  }
0xa: {  	s25 =	smul.u32 $0x27100, s1;
	s9 =	sshrl.u32 s17, $0x1;
	s8 =	sshrl.u32 s8, $0x2  }
0xb: {  	s5 =	sadd.s32 s6, s5;
	s6 =	sor.u32 s2, s16;
	s16 =	smul.u32 $0x271000, s1  }
0xc: {  	[dreg:$0x6] =	wrdreg s14;
	s8 =	sadd.s32 s8, s3;
	s10 =	smul.u32 $0x2710, s6  }
0xd: {  	s5 =	sshll.u32 s5, $0x4;
	[dreg:$0x4] =	wrdreg s8;
	s6 =	smul.u32 $0x27100, s6  }
0xe: {  	s0 =	sadd.s32 s5, s0;
	s5 =	ssub.s32 s17, s9;
	s17 =	sadd.s32 s26, s25  }
0xf: {  	s9 =	simm.s32 $0x5400;
	s18 =	sadd.s32 $0x4E2E00, s0;
	s20 =	sadd.s32 $0x28, s10  }
0x10: {  	s21 =	sshrl.u32 s10, $0x3;
	s6 =	sadd.s32 s7, s6;
	s24 =	sadd.s32 $0x50, s10  }
0x11: {  	s0 =	sadd.s32 $0x531E00, s0;
	s5 =	smax.u32 s5, $0x1;
	[dreg:$0x5] =	wrdreg s18  }
0x12: {  	s19 =	sadd.s32 $0x118, s17;
	s1 =	sadd.s32 $0xC8, s17;
	[dreg:$0x8] =	wrdreg s6  }
0x13: {  	s11 =	sshrl.u32 s20, $0x3;
	s8 =	sadd.s32 s12, s21;
	[dreg:$0xd] =	wrdreg s0  }
0x14: {  	s23 =	sshll.u32 s20, $0x4;
	s10 =	sshrl.u32 s24, $0x3;
	[dreg:$0xe] =	wrdreg s5  }
0x15: {  	s18 =	smul.u32 $0x27100, s2;
	s0 =	sadd.s32 s16, s7;
	s20 =	sadd.s32 $0xF0, s17  }
0x16: {  	[dreg:$0x11] =	wrdreg s1;
	s2 =	simm.s32 $0x10;
	s1 =	simm.s32 $0x4000  }
0x17: {  	s5 =	simm.s32 $0x2;
	[dreg:$0x7] =	wrdreg s8;
	s22 =	sadd.s32 s12, s11  }
0x18: {  	s8 =	sshll.u32 s24, $0x4;
	s6 =	sadd.s32 s7, s23;
	s13 =	sadd.s32 s12, s10  }
0x19: {  	s23 =	sadd.s32 $0xA0, s17;
	s24 =	sadd.s32 $0x78, s17;
	[dreg:$0x9] =	wrdreg s22  }
0x1a: {  	s10 =	simm.s32 $0x3;
	s11 =	simm.s32 $0x8;
	[dreg:$0xa] =	wrdreg s6  }
0x1b: {  	s17 =	simm.s32 $0xD;
	[dreg:$0xb] =	wrdreg s13;
	s15 =	sadd.s32 s7, s8  }
0x1c: {  	s6 =	sshrl.u32 s19, $0x3;
	s16 =	sadd.s32 s18, s0;
	s22 =	sshrl.u32 s20, $0x3  }
0x1d: {  	s25 =	sshrl.u32 s24, $0x3;
	s8 =	simm.s32 $0x200;
	s13 =	simm.s32 $0xA  }
.Ltmp0:
0x1e: {  	[dreg:$0xc] =	wrdreg s15;
	s21 =	sadd.s32 s6, s12;
	(pc) =	sbr.rel .LBB2_1-.Ltmp0, $4  }
0x1f: {  	s7 =	simm.s32 $0x0;
	s0 =	sadd.s32 s22, s12;
	[dreg:$0xf] =	wrdreg s21  }
0x20: {  	s26 =	sadd.s32 s25, s12;
	[dreg:$0x10] =	wrdreg s0;
	s0 =	sshrl.u32 s23, $0x3  }
0x21: {  	s6 =	simm.s32 $0x7;
	[dreg:$0x13] =	wrdreg s26;
	s0 =	sadd.s32 s0, s12  }
0x22: {  	s26 =	simm.s32 $0x100;
	s12 =	simm.s32 $0x5;
	[dreg:$0x12] =	wrdreg s0  }
.LBB2_4:
0x23: {  	s0 =	simm.s32 $0xB  }
0x24: {  	_ =	swait.ge [sflag:s0], $0x1400  }
0x25: {  	[sflag:s0] =	ssyncset.done $0x0  }
0x26: {  	s21 =	simm.s32 $0xC;
	[sflag:s0] =	ssyncadd.s32 $0xFFFFEC00  }
0x27: {  	_ =	swait.ge [sflag:s21], $0x1400  }
0x28: {  	[sflag:s21] =	ssyncset.done $0x0  }
0x29: {  	[sflag:s21] =	ssyncadd.s32 $0xFFFFEC00  }
0x2a: {  	_ =	swait.ge [sflag:s17], $0x1400  }
0x2b: {  	[sflag:s17] =	ssyncset.done $0x0  }
0x2c: {  	s22 =	simm.s32 $0xE;
	[sflag:s17] =	ssyncadd.s32 $0xFFFFEC00  }
0x2d: {  	_ =	swait.ge [sflag:s22], $0x1400  }
0x2e: {  	[sflag:s22] =	ssyncset.done $0x0  }
0x2f: {  	s23 =	simm.s32 $0xF;
	[sflag:s22] =	ssyncadd.s32 $0xFFFFEC00  }
0x30: {  	_ =	swait.ge [sflag:s23], $0x1400  }
0x31: {  	[sflag:s23] =	ssyncset.done $0x0  }
0x32: {  	[sflag:s23] =	ssyncadd.s32 $0xFFFFEC00  }
0x33: {  	[bflag:$0x0] =	sbarrier.arrive $0xFFFF  }
0x34: {  	s14 =	rddreg [dreg:$0x6]  }
0x35: {  	s24 =	rddreg [dreg:$0xd]  }
0x36: {  	s2 =	rddreg [dreg:$0x15]  }
0x37: {  	[hbm:s24], [sflag:s14] =	dma.local [spmem:s2], $0x2780  }
0x38: {  	s2 =	simm.s32 $0x10  }
0x39: {  	_ =	swait.ge [sflag:s2], $0x2780  }
0x3a: {  	s7 =	rddreg [dreg:$0x14]  }
0x3b: {  	s25 =	rddreg [dreg:$0xe];
	s7 =	sadd.s32 $0x1, s7  }
0x3c: {  	p0 =	sne.s32 s7, s25  }
.Ltmp1:
0x3d: {  	_ = 	snop;
	(pc) =	sbr.rel @!p0 .LBB2_5-.Ltmp1, $3  }
0x3e: {  	_ =	sdelay $0x1  }
0x3f: {  	[sflag:s2] =	ssyncset.done $0x0  }
0x40: {  	[sflag:s2] =	ssyncadd.s32 $0xFFFFD880  }
.LBB2_1:
0x41: {  	[dreg:$0x14] =	wrdreg s7  }
0x42: {  	s0 =	rddreg [dreg:$0x4]  }
0x43: {  	s25 =	rddreg [dreg:$0x5];
	s24 =	sshrl.u32 s0, $0x3  }
0x44: {  	[dreg:$0x15] =	wrdreg s24  }
0x45: {  	[spmem:s24], [sflag:s14] =	dma.local [hbm:s25], $0x2780  }
0x46: {  	_ =	swait.ge [sflag:s2], $0x2780  }
0x47: {  	[sflag:s2] =	ssyncset.done $0x0  }
0x48: {  	[sflag:s2] =	ssyncadd.s32 $0xFFFFD880  }
0x49: {  	[bflag:$0x0] =	sbarrier.arrive $0xFFFF  }
0x4a: {  	s15 =	rddreg [dreg:$0x7]  }
0x4b: {  	s18 =	rddreg [dreg:$0x8]  }
0x4c: {  	s20 =	rddreg [dreg:$0x9]  }
0x4d: {  	s22 =	rddreg [dreg:$0xa]  }
0x4e: {  	s24 =	rddreg [dreg:$0xb]  }
0x4f: {  	s25 =	rddreg [dreg:$0xc]  }
0x50: {  	[tilespmem:s4], [sflag:$0x1] =	stream.linear.gather [hbm4b:s15+s4], $0x28, $0x38;
	[tilespmem:$0x1A400] =	vst v63  }
0x51: {  	s19 =	simm.s32 $0x400;
	s7 =	rddreg [dreg:$0x10]  }
0x52: {  	[tilespmem:s19], [sflag:$0x6] =	stream.linear.gather [hbm4b:s18+s4], $0x1400, $0x38;
	[tilespmem:$0x1A400] =	vst v63  }
0x53: {  	s21 =	simm.s32 $0x80;
	s15 =	rddreg [dreg:$0x13]  }
0x54: {  	[tilespmem:s21], [sflag:$0x2] =	stream.linear.gather [hbm4b:s20+s4], $0x28, $0x38;
	[tilespmem:$0x1A400] =	vst v63  }
0x55: {  	s23 =	simm.s32 $0x1800;
	s18 =	rddreg [dreg:$0x12]  }
0x56: {  	[tilespmem:s23], [sflag:$0x7] =	stream.linear.gather [hbm4b:s22+s4], $0x1400, $0x38;
	[tilespmem:$0x1A400] =	vst v63  }
0x57: {  	s19 =	rddreg [dreg:$0x11]  }
0x58: {  	[tilespmem:s26], [sflag:$0x3] =	stream.linear.gather [hbm4b:s24+s4], $0x28, $0x38;
	[tilespmem:$0x1A400] =	vst v63  }
0x59: {  	s14 =	simm.s32 $0xFFFFFFFE;
	s21 =	simm.s32 $0x0;
	s22 =	rddreg [dreg:$0xf]  }
0x5a: {  	[tilespmem:s28], [sflag:$0x8] =	stream.linear.gather [hbm4b:s25+s4], $0x1400, $0x38;
	[tilespmem:$0x1A400] =	vst v63  }
.LBB2_2:
0x5b: {  	_ =	swait.ge [sflag:s29], $0x28  }
0x5c: {  	[sflag:s29] =	ssyncset.done $0x0  }
0x5d: {  	[sflag:s29] =	ssyncadd.s32 $0xFFFFFFD8  }
0x5e: {  	_ =	swait.ge [sflag:s30], $0x1400  }
0x5f: {  	p0 =	sgt.u32 s14, $0xF4;
	[sflag:s30] =	ssyncset.done $0x0  }
0x60: {  	s0 =	simm.s32 $0x400;
	s20 =	simm.s32 @!p0 $0xE;
	[sflag:s30] =	ssyncadd.s32 $0xFFFFEC00  }
0x61: {  	[spmem:s3] =	stream.indirect.scatter.add.f32 [tilespmem:s0], [sflag:$0xB], $0x80, s4, s31, $0xb8;
	[tilespmem:$0x1A400] =	vst v63  }
0x62: {  	_ =	swait.ge @!p0 [sflag:s20], $0x1400  }
0x63: {  	[sflag:s20] =	ssyncset.done @!p0 $0x0  }
0x64: {  	s25 =	simm.s32 $0x180;
	[sflag:s20] =	ssyncadd.s32 @!p0 $0xFFFFEC00;
	s20 =	sadd.s32 s21, s16  }
0x65: {  	[tilespmem:s25], [sflag:$0x4] =	stream.linear.gather [hbm4b:s15+s4], $0x28, $0x38;
	[tilespmem:$0x1A400] =	vst v63  }
0x66: {  	s2 =	sadd.s32 $0x780, s20  }
0x67: {  	[tilespmem:s1], [sflag:$0x9] =	stream.linear.gather [hbm4b:s2+s4], $0x1400, $0x38;
	[tilespmem:$0x1A400] =	vst v63  }
0x68: {  	_ =	swait.ge [sflag:s5], $0x28  }
0x69: {  	[sflag:s5] =	ssyncset.done $0x0  }
0x6a: {  	[sflag:s5] =	ssyncadd.s32 $0xFFFFFFD8  }
0x6b: {  	_ =	swait.ge [sflag:s6], $0x1400  }
0x6c: {  	s23 =	simm.s32 $0x1800;
	s24 =	sadd.s32 $0x1, s14;
	[sflag:s6] =	ssyncset.done $0x0  }
0x6d: {  	p0 =	sgt.u32 s24, $0xF4;
	s2 =	simm.s32 $0x80;
	[sflag:s6] =	ssyncadd.s32 $0xFFFFEC00  }
0x6e: {  	[spmem:s3] =	stream.indirect.scatter.add.f32 [tilespmem:s23], [sflag:$0xC], $0x80, s2, s31, $0xb8;
	[tilespmem:$0x1A400] =	vst v63  }
0x6f: {  	s2 =	simm.s32 @!p0 $0xF  }
0x70: {  	_ =	swait.ge @!p0 [sflag:s2], $0x1400  }
0x71: {  	[sflag:s2] =	ssyncset.done @!p0 $0x0  }
0x72: {  	[sflag:s2] =	ssyncadd.s32 @!p0 $0xFFFFEC00  }
0x73: {  	[tilespmem:s8], [sflag:$0x5] =	stream.linear.gather [hbm4b:s18+s4], $0x28, $0x38;
	[tilespmem:$0x1A400] =	vst v63  }
0x74: {  	s25 =	sadd.s32 $0xA00, s20  }
0x75: {  	[tilespmem:s9], [sflag:$0xA] =	stream.linear.gather [hbm4b:s25+s4], $0x1400, $0x38;
	[tilespmem:$0x1A400] =	vst v63  }
0x76: {  	_ =	swait.ge [sflag:s10], $0x28  }
0x77: {  	[sflag:s10] =	ssyncset.done $0x0  }
0x78: {  	[sflag:s10] =	ssyncadd.s32 $0xFFFFFFD8  }
0x79: {  	_ =	swait.ge [sflag:s11], $0x1400  }
0x7a: {  	p0 =	seq.s32 s21, $0x26480;
	[sflag:s11] =	ssyncset.done $0x0  }
0x7b: {  	s2 =	simm.s32 @p0 $0x4;
	[sflag:s11] =	ssyncadd.s32 $0xFFFFEC00  }
0x7c: {  	[spmem:s3] =	stream.indirect.scatter.add.f32 [tilespmem:s28], [sflag:$0xD], $0x80, s26, s31, $0xb8;
	[tilespmem:$0x1A400] =	vst v63  }
0x7d: {  	_ =	swait.ge @p0 [sflag:s2], $0x28  }
0x7e: {  	[sflag:s2] =	ssyncset.done @p0 $0x0  }
0x7f: {  	[sflag:s2] =	ssyncadd.s32 @p0 $0xFFFFFFD8;
	s2 =	simm.s32 @p0 $0x9  }
0x80: {  	_ =	swait.ge @p0 [sflag:s2], $0x1400  }
0x81: {  	s23 =	simm.s32 @p0 $0x180;
	[sflag:s2] =	ssyncset.done @p0 $0x0  }
0x82: {  	s24 =	simm.s32 @p0 $0x4000;
	[sflag:s2] =	ssyncadd.s32 @p0 $0xFFFFEC00;
	s2 =	simm.s32 @p0 $0x28  }
0x83: {  	[spmem:s3] =	stream.indirect.scatter.add.f32 @p0 [tilespmem:s24], [sflag:$0xE], $0x80, s23, s2, $0xb8;
	[tilespmem:$0x1A400] =	vst v63  }
0x84: {  	s2 =	simm.s32 @!p0 $0xB  }
0x85: {  	_ =	swait.ge @!p0 [sflag:s2], $0x1400  }
0x86: {  	[sflag:s2] =	ssyncset.done @!p0 $0x0  }
0x87: {  	[sflag:s2] =	ssyncadd.s32 @!p0 $0xFFFFEC00  }
0x88: {  	s23 =	sshrl.u32 @!p0 s19, $0x3;
	s0 =	rddreg [dreg:$0x1]  }
0x89: {  	s2 =	sadd.s32 @!p0 s0, s23;
	s23 =	simm.s32 @!p0 $0x0  }
0x8a: {  	[tilespmem:s23], [sflag:$0x1] =	stream.linear.gather @!p0 [hbm4b:s2+s23], $0x28, $0x38;
	[tilespmem:$0x1A400] =	vst v63  }
0x8b: {  	s2 =	sadd.s32 @!p0 s21, s16  }
0x8c: {  	s0 =	simm.s32 @!p0 $0x400;
	s24 =	sadd.s32 @!p0 $0xC80, s2  }
0x8d: {  	[tilespmem:s0], [sflag:$0x6] =	stream.linear.gather @!p0 [hbm4b:s24+s23], $0x1400, $0x38;
	[tilespmem:$0x1A400] =	vst v63  }
0x8e: {  	s0 =	simm.s32 @!p0 $0x4  }
0x8f: {  	_ =	swait.ge @!p0 [sflag:s0], $0x28  }
0x90: {  	[sflag:s0] =	ssyncset.done @!p0 $0x0  }
0x91: {  	[sflag:s0] =	ssyncadd.s32 @!p0 $0xFFFFFFD8;
	s0 =	simm.s32 @!p0 $0x9  }
0x92: {  	_ =	swait.ge @!p0 [sflag:s0], $0x1400  }
0x93: {  	s25 =	simm.s32 @!p0 $0x4000;
	[sflag:s0] =	ssyncset.done @!p0 $0x0  }
0x94: {  	s24 =	simm.s32 @!p0 $0x180;
	[sflag:s0] =	ssyncadd.s32 @!p0 $0xFFFFEC00;
	s0 =	simm.s32 @!p0 $0x28  }
0x95: {  	[spmem:s3] =	stream.indirect.scatter.add.f32 @!p0 [tilespmem:s25], [sflag:$0xE], $0x80, s24, s0, $0xb8;
	[tilespmem:$0x1A400] =	vst v63  }
0x96: {  	s0 =	simm.s32 @!p0 $0xC  }
0x97: {  	_ =	swait.ge @!p0 [sflag:s0], $0x1400  }
0x98: {  	[sflag:s0] =	ssyncset.done @!p0 $0x0  }
0x99: {  	[sflag:s0] =	ssyncadd.s32 @!p0 $0xFFFFEC00;
	s0 =	simm.s32 @!p0 $0x80  }
0x9a: {  	[tilespmem:s0], [sflag:$0x2] =	stream.linear.gather @!p0 [hbm4b:s7+s23], $0x28, $0x38;
	[tilespmem:$0x1A400] =	vst v63  }
0x9b: {  	s0 =	sadd.s32 @!p0 $0xF00, s2;
	s2 =	simm.s32 @!p0 $0x1800  }
0x9c: {  	[tilespmem:s2], [sflag:$0x7] =	stream.linear.gather @!p0 [hbm4b:s0+s23], $0x1400, $0x38;
	[tilespmem:$0x1A400] =	vst v63  }
0x9d: {  	_ =	swait.ge [sflag:s12], $0x28  }
0x9e: {  	[sflag:s12] =	ssyncset.done $0x0  }
.Ltmp2:
0x9f: {  	[sflag:s12] =	ssyncadd.s32 $0xFFFFFFD8;
	(pc) =	sbr.rel @p0 .LBB2_4-.Ltmp2, $4  }
0xa0: {  	_ =	swait.ge [sflag:s13], $0x1400  }
0xa1: {  	[sflag:s13] =	ssyncset.done $0x0  }
0xa2: {  	[sflag:s13] =	ssyncadd.s32 $0xFFFFEC00  }
0xa3: {  	[spmem:s3] =	stream.indirect.scatter.add.f32 [tilespmem:s9], [sflag:$0xF], $0x80, s8, s31, $0xb8;
	[tilespmem:$0x1A400] =	vst v63  }
0xa4: {  	_ =	swait.ge [sflag:s17], $0x1400;
	s0 =	sadd.s32 $0x1180, s20;
	s14 =	sadd.s32 $0x5, s14  }
.Ltmp3:
0xa5: {  	s21 =	sadd.s32 $0xC80, s21;
	[sflag:s17] =	ssyncset.done $0x0;
	(pc) =	sbr.rel .LBB2_2-.Ltmp3, $4  }
0xa6: {  	s7 =	sadd.s32 $0x19, s7;
	s19 =	sadd.s32 $0xC8, s19;
	[sflag:s17] =	ssyncadd.s32 $0xFFFFEC00  }
0xa7: {  	[tilespmem:s26], [sflag:$0x3] =	stream.linear.gather [hbm4b:s22+s4], $0x28, $0x38;
	[tilespmem:$0x1A400] =	vst v63  }
0xa8: {  	s18 =	sadd.s32 $0x19, s18;
	s15 =	sadd.s32 $0x19, s15;
	s22 =	sadd.s32 $0x19, s22  }
0xa9: {  	[tilespmem:s28], [sflag:$0x8] =	stream.linear.gather [hbm4b:s0+s4], $0x1400, $0x38;
	[tilespmem:$0x1A400] =	vst v63  }
.LBB2_5:
0xaa: {  	_ =	sfence.sel $0x180000  }
0xab: {  	[bflag:$0x0] =	sbarrier.arrive $0xFFFF  }
0xac: {  	_ =	strace $0x90000047  }
0xad: {  	s0 =	stileid.u32;
	[bflag:$0x2] =	sbarrier.arrive $0xFFFF  }
0xae: {  	p0 =	sne.s32 s0, $0x0;
	s0 =	rddreg [dreg:$0x3]  }
0xaf: {  	s0 =	sadd.s32 @!p0 $0x100000, s0  }
0xb0: {  	[sflag:s0] =	ssyncadd.tile.s32 @!p0 $0x1;
	_ =	shalt  }
.Lfunc_end2:
_tile_overlayer_lowered:
.L_overlay_start_2:
0xb1: {  	(tag) =	ssettag $0x2  }
0xb2: {  	s0 =	rddreg [dreg:$0x0];
	s2 =	stileid.u32  }
0xb3: {  	s1 =	rddreg [dreg:$0x1];
	p0 =	sne.s32 s2, $0x0  }
0xb4: {  	s3 =	rddreg [dreg:$0x2];
	[bflag:$0x3] =	sbarrier.arrive $0xFFFF;
	s2 =	simm.s32 @!p0 $0x1C10  }
0xb5: {  	[timem:s3], [sflag:s2] =	dma.local @!p0 [hbm:s0], s1  }
0xb6: {  	s0 =	simm.s32 @!p0 $0x10  }
0xb7: {  	_ =	swait.ge @!p0 [sflag:s0], s1  }
0xb8: {  	s1 =	ssub.s32 @!p0 $0x0, s1;
	[sflag:s0] =	ssyncset.done @!p0 $0x0  }
0xb9: {  	[sflag:s0] =	ssyncadd.s32 @!p0 s1  }
0xba: {  	[bflag:$0x3] =	sbarrier.arrive $0xFFFF  }
0xbb: {  	_ =	shalt  }

</sc_bundles>
